<compile_context>
chip_gen: v7x
topology: tpu7x:2x2x1
jax: 0.10.2.dev20260603
libtpu: 0.0.44.dev20260713+nightly
codegen_flags: <defaults>
</compile_context>

<pallas_src>
import functools

import jax
import jax.numpy as jnp
from jax import lax
from jax.experimental import pallas as pl
from jax.experimental.pallas import tpu as pltpu
from jax.experimental.pallas import tpu_sc as plsc

N = 10000
NPAD = 10240
E = 320000
D = 128
NC = 2
NS = 16
NW = NC * NS
CHUNK = 128
K = 80
EPAD = NW * K * CHUNK
NROWS = NW * K
RPT = NPAD // NS
BLK = 2048
GRID = NPAD // BLK

_mesh = plsc.VectorSubcoreMesh(
    core_axis_name="c", subcore_axis_name="s", num_cores=NC, num_subcores=NS
)


@functools.partial(
    pl.kernel,
    out_type=jax.ShapeDtypeStruct((NC * NPAD,), jnp.float32),
    mesh=_mesh,
    scratch_types=[
        pltpu.VMEM((K, CHUNK), jnp.int32),
        pltpu.VMEM((RPT,), jnp.float32),
        pltpu.VMEM((CHUNK,), jnp.float32),
        pltpu.VMEM_SHARED((NPAD,), jnp.float32),
    ],
)
def _sc_degree(dst_hbm, out_hbm, dst_v, zero_v, ones_v, deg_sh):
    c = lax.axis_index("c")
    s = lax.axis_index("s")
    wid = c * NS + s

    pltpu.sync_copy(dst_hbm.at[pl.ds(wid * K, K)], dst_v)

    def zbody(i, carry):
        zero_v[pl.ds(i * 16, 16)] = jnp.zeros((16,), jnp.float32)
        return carry

    lax.fori_loop(0, RPT // 16, zbody, 0)

    def obody(i, carry):
        ones_v[pl.ds(i * 16, 16)] = jnp.ones((16,), jnp.float32)
        return carry

    lax.fori_loop(0, CHUNK // 16, obody, 0)

    pltpu.sync_copy(zero_v, deg_sh.at[pl.ds(s * RPT, RPT)])
    plsc.subcore_barrier()

    def body(j, carry):
        pltpu.sync_copy(ones_v, deg_sh.at[dst_v.at[j]], add=True)
        return carry

    lax.fori_loop(0, K, body, 0)
    plsc.subcore_barrier()

    pltpu.sync_copy(
        deg_sh.at[pl.ds(s * RPT, RPT)], out_hbm.at[pl.ds(c * NPAD + s * RPT, RPT)]
    )


@functools.partial(
    pl.kernel,
    out_type=jax.ShapeDtypeStruct((NC * NPAD, D), jnp.float32),
    mesh=_mesh,
    scratch_types=[
        pltpu.VMEM((K, CHUNK), jnp.int32),
        pltpu.VMEM((K, CHUNK), jnp.int32),
        pltpu.VMEM((CHUNK, D), jnp.float32),
        pltpu.VMEM_SHARED((NPAD, D), jnp.float32),
        pltpu.SemaphoreType.DMA,
    ],
)
def _sc_aggregate(hp_hbm, src_hbm, dst_hbm, out_hbm, src_v, dst_v, rows_v, agg_sh, sem):
    c = lax.axis_index("c")
    s = lax.axis_index("s")
    wid = c * NS + s

    pltpu.sync_copy(src_hbm.at[pl.ds(wid * K, K)], src_v)
    pltpu.sync_copy(dst_hbm.at[pl.ds(wid * K, K)], dst_v)
    pltpu.sync_copy(hp_hbm.at[pl.ds(s * RPT, RPT)], agg_sh.at[pl.ds(s * RPT, RPT)])
    plsc.subcore_barrier()

    def body(j, carry):
        pltpu.async_copy(hp_hbm.at[src_v.at[j]], rows_v, sem).wait()
        pltpu.sync_copy(rows_v, agg_sh.at[dst_v.at[j]], add=True)
        return carry

    lax.fori_loop(0, K, body, 0)
    plsc.subcore_barrier()

    pltpu.sync_copy(
        agg_sh.at[pl.ds(s * RPT, RPT)], out_hbm.at[pl.ds(c * NPAD + s * RPT, RPT)]
    )


def _prep_body(x_ref, w_ref, d0_ref, d1_ref, hp_ref, g_ref):
    i = pl.program_id(0)
    deg = d0_ref[...] + d1_ref[...] + 1.0
    g = lax.rsqrt(deg)
    rows = lax.broadcasted_iota(jnp.int32, (BLK, 1), 0) + i * BLK
    mask = rows < N
    h = lax.dot_general(
        x_ref[...], w_ref[...], (((1,), (1,)), ((), ())),
        preferred_element_type=jnp.float32,
    )
    hp_ref[...] = jnp.where(mask, h * g[:, None], 0.0)
    g_ref[...] = g


def _tc_prep(x, W1, deg01):
    return pl.pallas_call(
        _prep_body,
        grid=(GRID,),
        in_specs=[
            pl.BlockSpec((BLK, D), lambda i: (i, 0)),
            pl.BlockSpec((D, D), lambda i: (0, 0)),
            pl.BlockSpec((BLK,), lambda i: (i,)),
            pl.BlockSpec((BLK,), lambda i: (i + GRID,)),
        ],
        out_specs=[
            pl.BlockSpec((BLK, D), lambda i: (i, 0)),
            pl.BlockSpec((BLK,), lambda i: (i,)),
        ],
        out_shape=[
            jax.ShapeDtypeStruct((NPAD, D), jnp.float32),
            jax.ShapeDtypeStruct((NPAD,), jnp.float32),
        ],
    )(x, W1, deg01, deg01)


def _mid_body(a0_ref, a1_ref, hp_ref, g_ref, b_ref, w_ref, out_ref):
    i = pl.program_id(0)
    g = g_ref[...]
    a = g[:, None] * (a0_ref[...] + a1_ref[...] - hp_ref[...]) + b_ref[...][None, :]
    r = jnp.maximum(a, 0.0)
    h = lax.dot_general(
        r, w_ref[...], (((1,), (1,)), ((), ())),
        preferred_element_type=jnp.float32,
    )
    rows = lax.broadcasted_iota(jnp.int32, (BLK, 1), 0) + i * BLK
    out_ref[...] = jnp.where(rows < N, h * g[:, None], 0.0)


def _tc_mid(agg, hp1, g, b1, W2):
    return pl.pallas_call(
        _mid_body,
        grid=(GRID,),
        in_specs=[
            pl.BlockSpec((BLK, D), lambda i: (i, 0)),
            pl.BlockSpec((BLK, D), lambda i: (i + GRID, 0)),
            pl.BlockSpec((BLK, D), lambda i: (i, 0)),
            pl.BlockSpec((BLK,), lambda i: (i,)),
            pl.BlockSpec((D,), lambda i: (0,)),
            pl.BlockSpec((D, D), lambda i: (0, 0)),
        ],
        out_specs=pl.BlockSpec((BLK, D), lambda i: (i, 0)),
        out_shape=jax.ShapeDtypeStruct((NPAD, D), jnp.float32),
    )(agg, agg, hp1, g, b1, W2)


def _final_body(a0_ref, a1_ref, hp_ref, g_ref, b_ref, out_ref):
    g = g_ref[...]
    out_ref[...] = (
        g[:, None] * (a0_ref[...] + a1_ref[...] - hp_ref[...]) + b_ref[...][None, :]
    )


def _tc_final(agg, hp2, g, b2):
    return pl.pallas_call(
        _final_body,
        grid=(GRID,),
        in_specs=[
            pl.BlockSpec((BLK, D), lambda i: (i, 0)),
            pl.BlockSpec((BLK, D), lambda i: (i + GRID, 0)),
            pl.BlockSpec((BLK, D), lambda i: (i, 0)),
            pl.BlockSpec((BLK,), lambda i: (i,)),
            pl.BlockSpec((D,), lambda i: (0,)),
        ],
        out_specs=pl.BlockSpec((BLK, D), lambda i: (i, 0)),
        out_shape=jax.ShapeDtypeStruct((N, D), jnp.float32),
    )(agg, agg, hp2, g, b2)


def kernel(x, edge_index, W1, b1, W2, b2):
    ei = edge_index.astype(jnp.int32)
    npad_extra = EPAD - E
    pad_src = jnp.zeros((npad_extra,), jnp.int32)
    pad_dst = N + (jnp.arange(npad_extra, dtype=jnp.int32) % (NPAD - N))
    src2d = jnp.concatenate([ei[0], pad_src]).reshape(NROWS, CHUNK)
    dst2d = jnp.concatenate([ei[1], pad_dst]).reshape(NROWS, CHUNK)

    deg01 = _sc_degree(dst2d)
    hp1, g = _tc_prep(x, W1, deg01)
    agg1 = _sc_aggregate(hp1, src2d, dst2d)
    hp2 = _tc_mid(agg1, hp1, g, b1, W2)
    agg2 = _sc_aggregate(hp2, src2d, dst2d)
    return _tc_final(agg2, hp2, g, b2)

# --- scband reference (transcript-rebuilt; emitter-appended) ---
"""Pipeline reference for scband-gcnencoder-11982958756635 (READ-ONLY COPY).

The authoritative reference and input builder live on the scoring server;
editing this copy changes nothing except your own understanding.
"""

import jax, jax.numpy as jnp
import numpy as np

N_NODES = 10000
N_EDGES = 320000
D_IN = 128
D_HID = 128
D_OUT = 128


def setup_inputs(seed: int = 0) -> dict:
    key = jax.random.key(seed)
    k1, k2, k3, k4, k5, k6 = jax.random.split(key, 6)
    x = jax.random.normal(k1, (N_NODES, D_IN), dtype=jnp.float32)
    edge_index = jax.random.randint(k2, (2, N_EDGES), 0, N_NODES, dtype=jnp.int64)
    # GCNConv layer 1: linear weight [hidden, in] (PyG lin has no bias), layer bias [hidden]
    W1 = jax.random.normal(k3, (D_HID, D_IN), dtype=jnp.float32) * (1.0 / np.sqrt(D_IN))
    b1 = jnp.zeros((D_HID,), dtype=jnp.float32)
    # GCNConv layer 2
    W2 = jax.random.normal(k4, (D_OUT, D_HID), dtype=jnp.float32) * (1.0 / np.sqrt(D_HID))
    b2 = jnp.zeros((D_OUT,), dtype=jnp.float32)
    return {"x": x, "edge_index": edge_index, "W1": W1, "b1": b1, "W2": W2, "b2": b2}


def _gcn_conv(x, edge_index, W, b):
    # Faithful GCNConv: add self-loops, symmetric normalization, scatter-add aggregation
    N = x.shape[0]
    loop = jnp.arange(N, dtype=edge_index.dtype)
    src = jnp.concatenate([edge_index[0], loop])
    dst = jnp.concatenate([edge_index[1], loop])
    h = x @ W.T  # linear transform (no bias in lin)
    deg = jnp.zeros((N,), dtype=h.dtype).at[dst].add(1.0)
    deg_inv_sqrt = jnp.where(deg > 0, deg ** -0.5, 0.0)
    norm = deg_inv_sqrt[src] * deg_inv_sqrt[dst]
    msgs = h[src] * norm[:, None]
    out = jax.ops.segment_sum(msgs, dst, num_segments=N)
    return out + b


def reference(x, edge_index, W1, b1, W2, b2):
    h = _gcn_conv(x, edge_index, W1, b1)
    h = jax.nn.relu(h)
    out = _gcn_conv(h, edge_index, W2, b2)
    return out

if __name__ == "__main__":
    import jax
    _d = setup_inputs()
    print(jax.jit(kernel)(*tuple(_d.values())))

</pallas_src>

<mosaic_0001>
#map = affine_map<(d0, d1) -> (0, 0)>
module attributes {stable_mosaic.version = 14 : i64} {
  func.func @_sc_aggregate(%arg0: i32, %arg1: i32, %arg2: memref<10240x128xf32, #tpu.memory_space<hbm>>, %arg3: memref<2560x128xi32, #tpu.memory_space<hbm>>, %arg4: memref<2560x128xi32, #tpu.memory_space<hbm>>, %arg5: memref<20480x128xf32, #tpu.memory_space<hbm>>, %arg6: memref<80x128xi32, #tpu.memory_space<vmem>>, %arg7: memref<80x128xi32, #tpu.memory_space<vmem>>, %arg8: memref<128x128xf32, #tpu.memory_space<vmem>>, %arg9: memref<10240x128xf32, #tpu.memory_space<vmem_shared>>, %arg10: memref<!tpu.dma_semaphore, #tpu.memory_space<semaphore_mem>>) attributes {dimension_semantics = [#tpu.dimension_semantics<core_parallel>, #tpu.dimension_semantics<subcore_parallel>], iteration_bounds = array<i64: 2, 16>, scalar_prefetch = 0 : i64, scratch_operands = 5 : i64, tpu.core_type = #tpu.core_type<sc_vector_subcore>, window_params = [{transform_indices = #map}, {transform_indices = #map}, {transform_indices = #map}, {transform_indices = #map}]} {
    %mul3A = arith.constant 16 : i32
    %mul3A_0 = arith.muli %arg0, %mul3A : i32
    %add3A = arith.addi %mul3A_0, %arg1 : i32
    %mul3A_1 = arith.constant 80 : i32
    %mul3A_2 = arith.muli %add3A, %mul3A_1 : i32
    "tpu.region"() ({
      %run_scoped3A = tpu.sem_alloc : memref<!tpu.dma_semaphore, #tpu.memory_space<semaphore_mem>>
      %dma_start3A = arith.constant 0 : i32
      %dma_start3A_22 = tpu.memref_slice %arg3[%mul3A_2, %dma_start3A] : memref<2560x128xi32, #tpu.memory_space<hbm>> -> memref<80x128xi32, #tpu.memory_space<hbm>>
      %dma_start3A_23 = arith.constant 0 : i32
      %dma_start3A_24 = tpu.memref_slice %arg3[%mul3A_2, %dma_start3A_23] : memref<2560x128xi32, #tpu.memory_space<hbm>> -> memref<80x128xi32, #tpu.memory_space<hbm>>
      tpu.enqueue_dma source(%dma_start3A_24 : memref<80x128xi32, #tpu.memory_space<hbm>>) target(%arg6 : memref<80x128xi32, #tpu.memory_space<vmem>>) target_semaphore(%run_scoped3A : memref<!tpu.dma_semaphore, #tpu.memory_space<semaphore_mem>>)
      %dma_wait3A = arith.constant 0 : i32
      %dma_wait3A_25 = tpu.memref_slice %arg3[%mul3A_2, %dma_wait3A] : memref<2560x128xi32, #tpu.memory_space<hbm>> -> memref<80x128xi32, #tpu.memory_space<hbm>>
      %dma_wait3A_26 = arith.constant 0 : i32
      %dma_wait3A_27 = tpu.memref_slice %arg3[%mul3A_2, %dma_wait3A_26] : memref<2560x128xi32, #tpu.memory_space<hbm>> -> memref<80x128xi32, #tpu.memory_space<hbm>>
      tpu.wait_dma2 semaphore(%run_scoped3A : memref<!tpu.dma_semaphore, #tpu.memory_space<semaphore_mem>>) src(%dma_wait3A_27 : memref<80x128xi32, #tpu.memory_space<hbm>>) dst(%arg6 : memref<80x128xi32, #tpu.memory_space<vmem>>)
      tpu.yield
    }) : () -> ()
    %mul3A_3 = arith.constant 80 : i32
    %mul3A_4 = arith.muli %add3A, %mul3A_3 : i32
    "tpu.region"() ({
      %run_scoped3A = tpu.sem_alloc : memref<!tpu.dma_semaphore, #tpu.memory_space<semaphore_mem>>
      %dma_start3A = arith.constant 0 : i32
      %dma_start3A_22 = tpu.memref_slice %arg4[%mul3A_4, %dma_start3A] : memref<2560x128xi32, #tpu.memory_space<hbm>> -> memref<80x128xi32, #tpu.memory_space<hbm>>
      %dma_start3A_23 = arith.constant 0 : i32
      %dma_start3A_24 = tpu.memref_slice %arg4[%mul3A_4, %dma_start3A_23] : memref<2560x128xi32, #tpu.memory_space<hbm>> -> memref<80x128xi32, #tpu.memory_space<hbm>>
      tpu.enqueue_dma source(%dma_start3A_24 : memref<80x128xi32, #tpu.memory_space<hbm>>) target(%arg7 : memref<80x128xi32, #tpu.memory_space<vmem>>) target_semaphore(%run_scoped3A : memref<!tpu.dma_semaphore, #tpu.memory_space<semaphore_mem>>)
      %dma_wait3A = arith.constant 0 : i32
      %dma_wait3A_25 = tpu.memref_slice %arg4[%mul3A_4, %dma_wait3A] : memref<2560x128xi32, #tpu.memory_space<hbm>> -> memref<80x128xi32, #tpu.memory_space<hbm>>
      %dma_wait3A_26 = arith.constant 0 : i32
      %dma_wait3A_27 = tpu.memref_slice %arg4[%mul3A_4, %dma_wait3A_26] : memref<2560x128xi32, #tpu.memory_space<hbm>> -> memref<80x128xi32, #tpu.memory_space<hbm>>
      tpu.wait_dma2 semaphore(%run_scoped3A : memref<!tpu.dma_semaphore, #tpu.memory_space<semaphore_mem>>) src(%dma_wait3A_27 : memref<80x128xi32, #tpu.memory_space<hbm>>) dst(%arg7 : memref<80x128xi32, #tpu.memory_space<vmem>>)
      tpu.yield
    }) : () -> ()
    %mul3A_5 = arith.constant 640 : i32
    %mul3A_6 = arith.muli %arg1, %mul3A_5 : i32
    %mul3A_7 = arith.constant 640 : i32
    %mul3A_8 = arith.muli %arg1, %mul3A_7 : i32
    "tpu.region"() ({
      %run_scoped3A = tpu.sem_alloc : memref<!tpu.dma_semaphore, #tpu.memory_space<semaphore_mem>>
      %dma_start3A = arith.constant 0 : i32
      %dma_start3A_22 = tpu.memref_slice %arg9[%mul3A_8, %dma_start3A] : memref<10240x128xf32, #tpu.memory_space<vmem_shared>> -> memref<640x128xf32, #tpu.memory_space<vmem_shared>>
      %dma_start3A_23 = arith.constant 0 : i32
      %dma_start3A_24 = tpu.memref_slice %arg2[%mul3A_6, %dma_start3A_23] : memref<10240x128xf32, #tpu.memory_space<hbm>> -> memref<640x128xf32, #tpu.memory_space<hbm>>
      tpu.enqueue_dma source(%dma_start3A_24 : memref<640x128xf32, #tpu.memory_space<hbm>>) target(%dma_start3A_22 : memref<640x128xf32, #tpu.memory_space<vmem_shared>>) target_semaphore(%run_scoped3A : memref<!tpu.dma_semaphore, #tpu.memory_space<semaphore_mem>>)
      %dma_wait3A = arith.constant 0 : i32
      %dma_wait3A_25 = tpu.memref_slice %arg9[%mul3A_8, %dma_wait3A] : memref<10240x128xf32, #tpu.memory_space<vmem_shared>> -> memref<640x128xf32, #tpu.memory_space<vmem_shared>>
      %dma_wait3A_26 = arith.constant 0 : i32
      %dma_wait3A_27 = tpu.memref_slice %arg2[%mul3A_6, %dma_wait3A_26] : memref<10240x128xf32, #tpu.memory_space<hbm>> -> memref<640x128xf32, #tpu.memory_space<hbm>>
      tpu.wait_dma2 semaphore(%run_scoped3A : memref<!tpu.dma_semaphore, #tpu.memory_space<semaphore_mem>>) src(%dma_wait3A_27 : memref<640x128xf32, #tpu.memory_space<hbm>>) dst(%dma_wait3A_25 : memref<640x128xf32, #tpu.memory_space<vmem_shared>>)
      tpu.yield
    }) : () -> ()
    %barrier3A = arith.constant 0 : index
    tpu.barrier barrier_id(%barrier3A)
    %scan3A = arith.constant 0 : i32
    %scan3A_9 = arith.constant 0 : i32
    %scan3A_10 = arith.constant 80 : i32
    %scan3A_11 = arith.addi %scan3A_9, %scan3A_10 : i32
    %scan3A_12 = arith.constant 1 : i32
    scf.for %scan3A_22 = %scan3A_9 to %scan3A_11 step %scan3A_12  : i32 {
      %dma_start3A = arith.constant 0 : i32
      %dma_start3A_23 = tpu.memref_slice %arg6[%scan3A_22, %dma_start3A] : memref<80x128xi32, #tpu.memory_space<vmem>> -> memref<1x128xi32, #tpu.memory_space<vmem>>
      %dma_start3A_24 = tpu.memref_squeeze %dma_start3A_23 : memref<1x128xi32, #tpu.memory_space<vmem>> -> memref<128xi32, #tpu.memory_space<vmem>>
      %dma_start3A_25 = arith.constant 0 : i32
      %dma_start3A_26 = arith.constant 0 : i32
      %dma_start3A_27 = tpu.memref_slice %arg2[%dma_start3A_25, %dma_start3A_26] : memref<10240x128xf32, #tpu.memory_space<hbm>> -> memref<10240x128xf32, #tpu.memory_space<hbm>>
      tpu.enqueue_indirect_dma source(%dma_start3A_27 : memref<10240x128xf32, #tpu.memory_space<hbm>>) target(%arg8 : memref<128x128xf32, #tpu.memory_space<vmem>>) offsets(%dma_start3A_24 : memref<128xi32, #tpu.memory_space<vmem>>) semaphore(%arg10 : memref<!tpu.dma_semaphore, #tpu.memory_space<semaphore_mem>>)
      %dma_wait3A = arith.constant 0 : i32
      %dma_wait3A_28 = tpu.memref_slice %arg6[%scan3A_22, %dma_wait3A] : memref<80x128xi32, #tpu.memory_space<vmem>> -> memref<1x128xi32, #tpu.memory_space<vmem>>
      %dma_wait3A_29 = tpu.memref_squeeze %dma_wait3A_28 : memref<1x128xi32, #tpu.memory_space<vmem>> -> memref<128xi32, #tpu.memory_space<vmem>>
      %dma_wait3A_30 = arith.constant 0 : i32
      %dma_wait3A_31 = arith.constant 0 : i32
      %dma_wait3A_32 = tpu.memref_slice %arg2[%dma_wait3A_30, %dma_wait3A_31] : memref<10240x128xf32, #tpu.memory_space<hbm>> -> memref<10240x128xf32, #tpu.memory_space<hbm>>
      tpu.wait_indirect_dma semaphore(%arg10 : memref<!tpu.dma_semaphore, #tpu.memory_space<semaphore_mem>>) src(%dma_wait3A_32 : memref<10240x128xf32, #tpu.memory_space<hbm>>) dst(%arg8 : memref<128x128xf32, #tpu.memory_space<vmem>>)
      "tpu.region"() ({
        %run_scoped3A = tpu.sem_alloc : memref<!tpu.dma_semaphore, #tpu.memory_space<semaphore_mem>>
        %dma_start3A_33 = arith.constant 0 : i32
        %dma_start3A_34 = tpu.memref_slice %arg7[%scan3A_22, %dma_start3A_33] : memref<80x128xi32, #tpu.memory_space<vmem>> -> memref<1x128xi32, #tpu.memory_space<vmem>>
        %dma_start3A_35 = tpu.memref_squeeze %dma_start3A_34 : memref<1x128xi32, #tpu.memory_space<vmem>> -> memref<128xi32, #tpu.memory_space<vmem>>
        %dma_start3A_36 = arith.constant 0 : i32
        %dma_start3A_37 = arith.constant 0 : i32
        %dma_start3A_38 = tpu.memref_slice %arg9[%dma_start3A_36, %dma_start3A_37] : memref<10240x128xf32, #tpu.memory_space<vmem_shared>> -> memref<10240x128xf32, #tpu.memory_space<vmem_shared>>
        tpu.enqueue_indirect_dma source(%arg8 : memref<128x128xf32, #tpu.memory_space<vmem>>) target(%dma_start3A_38 : memref<10240x128xf32, #tpu.memory_space<vmem_shared>>) offsets(%dma_start3A_35 : memref<128xi32, #tpu.memory_space<vmem>>) semaphore(%run_scoped3A : memref<!tpu.dma_semaphore, #tpu.memory_space<semaphore_mem>>) {add = true}
        %dma_wait3A_39 = arith.constant 0 : i32
        %dma_wait3A_40 = tpu.memref_slice %arg7[%scan3A_22, %dma_wait3A_39] : memref<80x128xi32, #tpu.memory_space<vmem>> -> memref<1x128xi32, #tpu.memory_space<vmem>>
        %dma_wait3A_41 = tpu.memref_squeeze %dma_wait3A_40 : memref<1x128xi32, #tpu.memory_space<vmem>> -> memref<128xi32, #tpu.memory_space<vmem>>
        %dma_wait3A_42 = arith.constant 0 : i32
        %dma_wait3A_43 = arith.constant 0 : i32
        %dma_wait3A_44 = tpu.memref_slice %arg9[%dma_wait3A_42, %dma_wait3A_43] : memref<10240x128xf32, #tpu.memory_space<vmem_shared>> -> memref<10240x128xf32, #tpu.memory_space<vmem_shared>>
        tpu.wait_indirect_dma semaphore(%run_scoped3A : memref<!tpu.dma_semaphore, #tpu.memory_space<semaphore_mem>>) src(%arg8 : memref<128x128xf32, #tpu.memory_space<vmem>>) dst(%dma_wait3A_44 : memref<10240x128xf32, #tpu.memory_space<vmem_shared>>)
        tpu.yield
      }) : () -> ()
    }
    %scan3A_13 = arith.constant 80 : i32
    %barrier3A_14 = arith.constant 0 : index
    tpu.barrier barrier_id(%barrier3A_14)
    %mul3A_15 = arith.constant 640 : i32
    %mul3A_16 = arith.muli %arg1, %mul3A_15 : i32
    %mul3A_17 = arith.constant 10240 : i32
    %mul3A_18 = arith.muli %arg0, %mul3A_17 : i32
    %mul3A_19 = arith.constant 640 : i32
    %mul3A_20 = arith.muli %arg1, %mul3A_19 : i32
    %add3A_21 = arith.addi %mul3A_18, %mul3A_20 : i32
    "tpu.region"() ({
      %run_scoped3A = tpu.sem_alloc : memref<!tpu.dma_semaphore, #tpu.memory_space<semaphore_mem>>
      %dma_start3A = arith.constant 0 : i32
      %dma_start3A_22 = tpu.memref_slice %arg5[%add3A_21, %dma_start3A] : memref<20480x128xf32, #tpu.memory_space<hbm>> -> memref<640x128xf32, #tpu.memory_space<hbm>>
      %dma_start3A_23 = arith.constant 0 : i32
      %dma_start3A_24 = tpu.memref_slice %arg9[%mul3A_16, %dma_start3A_23] : memref<10240x128xf32, #tpu.memory_space<vmem_shared>> -> memref<640x128xf32, #tpu.memory_space<vmem_shared>>
      tpu.enqueue_dma source(%dma_start3A_24 : memref<640x128xf32, #tpu.memory_space<vmem_shared>>) target(%dma_start3A_22 : memref<640x128xf32, #tpu.memory_space<hbm>>) target_semaphore(%run_scoped3A : memref<!tpu.dma_semaphore, #tpu.memory_space<semaphore_mem>>)
      %dma_wait3A = arith.constant 0 : i32
      %dma_wait3A_25 = tpu.memref_slice %arg5[%add3A_21, %dma_wait3A] : memref<20480x128xf32, #tpu.memory_space<hbm>> -> memref<640x128xf32, #tpu.memory_space<hbm>>
      %dma_wait3A_26 = arith.constant 0 : i32
      %dma_wait3A_27 = tpu.memref_slice %arg9[%mul3A_16, %dma_wait3A_26] : memref<10240x128xf32, #tpu.memory_space<vmem_shared>> -> memref<640x128xf32, #tpu.memory_space<vmem_shared>>
      tpu.wait_dma2 semaphore(%run_scoped3A : memref<!tpu.dma_semaphore, #tpu.memory_space<semaphore_mem>>) src(%dma_wait3A_27 : memref<640x128xf32, #tpu.memory_space<vmem_shared>>) dst(%dma_wait3A_25 : memref<640x128xf32, #tpu.memory_space<hbm>>)
      tpu.yield
    }) : () -> ()
    return
  }
}

#map = affine_map<(d0, d1) -> (0, 0)>
#map1 = affine_map<(d0, d1) -> (0)>
module attributes {stable_mosaic.version = 14 : i64} {
  func.func @_sc_degree(%arg0: i32, %arg1: i32, %arg2: memref<2560x128xi32, #tpu.memory_space<hbm>>, %arg3: memref<20480xf32, #tpu.memory_space<hbm>>, %arg4: memref<80x128xi32, #tpu.memory_space<vmem>>, %arg5: memref<640xf32, #tpu.memory_space<vmem>>, %arg6: memref<128xf32, #tpu.memory_space<vmem>>, %arg7: memref<10240xf32, #tpu.memory_space<vmem_shared>>) attributes {dimension_semantics = [#tpu.dimension_semantics<core_parallel>, #tpu.dimension_semantics<subcore_parallel>], iteration_bounds = array<i64: 2, 16>, scalar_prefetch = 0 : i64, scratch_operands = 4 : i64, tpu.core_type = #tpu.core_type<sc_vector_subcore>, window_params = [{transform_indices = #map}, {transform_indices = #map1}]} {
    %mul3A = arith.constant 16 : i32
    %mul3A_0 = arith.muli %arg0, %mul3A : i32
    %add3A = arith.addi %mul3A_0, %arg1 : i32
    %mul3A_1 = arith.constant 80 : i32
    %mul3A_2 = arith.muli %add3A, %mul3A_1 : i32
    "tpu.region"() ({
      %run_scoped3A = tpu.sem_alloc : memref<!tpu.dma_semaphore, #tpu.memory_space<semaphore_mem>>
      %dma_start3A = arith.constant 0 : i32
      %dma_start3A_30 = tpu.memref_slice %arg2[%mul3A_2, %dma_start3A] : memref<2560x128xi32, #tpu.memory_space<hbm>> -> memref<80x128xi32, #tpu.memory_space<hbm>>
      %dma_start3A_31 = arith.constant 0 : i32
      %dma_start3A_32 = tpu.memref_slice %arg2[%mul3A_2, %dma_start3A_31] : memref<2560x128xi32, #tpu.memory_space<hbm>> -> memref<80x128xi32, #tpu.memory_space<hbm>>
      tpu.enqueue_dma source(%dma_start3A_32 : memref<80x128xi32, #tpu.memory_space<hbm>>) target(%arg4 : memref<80x128xi32, #tpu.memory_space<vmem>>) target_semaphore(%run_scoped3A : memref<!tpu.dma_semaphore, #tpu.memory_space<semaphore_mem>>)
      %dma_wait3A = arith.constant 0 : i32
      %dma_wait3A_33 = tpu.memref_slice %arg2[%mul3A_2, %dma_wait3A] : memref<2560x128xi32, #tpu.memory_space<hbm>> -> memref<80x128xi32, #tpu.memory_space<hbm>>
      %dma_wait3A_34 = arith.constant 0 : i32
      %dma_wait3A_35 = tpu.memref_slice %arg2[%mul3A_2, %dma_wait3A_34] : memref<2560x128xi32, #tpu.memory_space<hbm>> -> memref<80x128xi32, #tpu.memory_space<hbm>>
      tpu.wait_dma2 semaphore(%run_scoped3A : memref<!tpu.dma_semaphore, #tpu.memory_space<semaphore_mem>>) src(%dma_wait3A_35 : memref<80x128xi32, #tpu.memory_space<hbm>>) dst(%arg4 : memref<80x128xi32, #tpu.memory_space<vmem>>)
      tpu.yield
    }) : () -> ()
    %scan3A = arith.constant 0 : i32
    %scan3A_3 = arith.constant 0 : i32
    %scan3A_4 = arith.constant 40 : i32
    %scan3A_5 = arith.addi %scan3A_3, %scan3A_4 : i32
    %scan3A_6 = arith.constant 1 : i32
    scf.for %scan3A_30 = %scan3A_3 to %scan3A_5 step %scan3A_6  : i32 {
      %broadcast_in_dim3A = arith.constant 0.000000e+00 : f32
      %broadcast_in_dim3A_31 = vector.broadcast %broadcast_in_dim3A : f32 to vector<16xf32>
      %mul3A_32 = arith.constant 16 : i32
      %mul3A_33 = arith.muli %scan3A_30, %mul3A_32 : i32
      %swap3A = arith.index_cast %mul3A_33 : i32 to index
      %swap3A_34 = tpu.vector_load %arg5[%swap3A] {strides = array<i32>} : memref<640xf32, #tpu.memory_space<vmem>>, vector<16xf32>,
      %swap3A_35 = vector.shape_cast %swap3A_34 : vector<16xf32> to vector<16xf32>
      %swap3A_36 = vector.shape_cast %broadcast_in_dim3A_31 : vector<16xf32> to vector<16xf32>
      tpu.vector_store %arg5[%swap3A], %swap3A_36 {strides = array<i32>} : memref<640xf32, #tpu.memory_space<vmem>>, vector<16xf32>,
    }
    %scan3A_7 = arith.constant 40 : i32
    %scan3A_8 = arith.constant 0 : i32
    %scan3A_9 = arith.constant 0 : i32
    %scan3A_10 = arith.constant 8 : i32
    %scan3A_11 = arith.addi %scan3A_9, %scan3A_10 : i32
    %scan3A_12 = arith.constant 1 : i32
    scf.for %scan3A_30 = %scan3A_9 to %scan3A_11 step %scan3A_12  : i32 {
      %broadcast_in_dim3A = arith.constant 1.000000e+00 : f32
      %broadcast_in_dim3A_31 = vector.broadcast %broadcast_in_dim3A : f32 to vector<16xf32>
      %mul3A_32 = arith.constant 16 : i32
      %mul3A_33 = arith.muli %scan3A_30, %mul3A_32 : i32
      %swap3A = arith.index_cast %mul3A_33 : i32 to index
      %swap3A_34 = tpu.vector_load %arg6[%swap3A] {strides = array<i32>} : memref<128xf32, #tpu.memory_space<vmem>>, vector<16xf32>,
      %swap3A_35 = vector.shape_cast %swap3A_34 : vector<16xf32> to vector<16xf32>
      %swap3A_36 = vector.shape_cast %broadcast_in_dim3A_31 : vector<16xf32> to vector<16xf32>
      tpu.vector_store %arg6[%swap3A], %swap3A_36 {strides = array<i32>} : memref<128xf32, #tpu.memory_space<vmem>>, vector<16xf32>,
    }
    %scan3A_13 = arith.constant 8 : i32
    %mul3A_14 = arith.constant 640 : i32
    %mul3A_15 = arith.muli %arg1, %mul3A_14 : i32
    "tpu.region"() ({
      %run_scoped3A = tpu.sem_alloc : memref<!tpu.dma_semaphore, #tpu.memory_space<semaphore_mem>>
      %dma_start3A = tpu.memref_slice %arg7[%mul3A_15] : memref<10240xf32, #tpu.memory_space<vmem_shared>> -> memref<640xf32, #tpu.memory_space<vmem_shared>>
      %dma_start3A_30 = tpu.memref_slice %arg7[%mul3A_15] : memref<10240xf32, #tpu.memory_space<vmem_shared>> -> memref<640xf32, #tpu.memory_space<vmem_shared>>
      tpu.enqueue_dma source(%arg5 : memref<640xf32, #tpu.memory_space<vmem>>) target(%dma_start3A_30 : memref<640xf32, #tpu.memory_space<vmem_shared>>) target_semaphore(%run_scoped3A : memref<!tpu.dma_semaphore, #tpu.memory_space<semaphore_mem>>)
      %dma_wait3A = tpu.memref_slice %arg7[%mul3A_15] : memref<10240xf32, #tpu.memory_space<vmem_shared>> -> memref<640xf32, #tpu.memory_space<vmem_shared>>
      %dma_wait3A_31 = tpu.memref_slice %arg7[%mul3A_15] : memref<10240xf32, #tpu.memory_space<vmem_shared>> -> memref<640xf32, #tpu.memory_space<vmem_shared>>
      tpu.wait_dma2 semaphore(%run_scoped3A : memref<!tpu.dma_semaphore, #tpu.memory_space<semaphore_mem>>) src(%arg5 : memref<640xf32, #tpu.memory_space<vmem>>) dst(%dma_wait3A_31 : memref<640xf32, #tpu.memory_space<vmem_shared>>)
      tpu.yield
    }) : () -> ()
    %barrier3A = arith.constant 0 : index
    tpu.barrier barrier_id(%barrier3A)
    %scan3A_16 = arith.constant 0 : i32
    %scan3A_17 = arith.constant 0 : i32
    %scan3A_18 = arith.constant 80 : i32
    %scan3A_19 = arith.addi %scan3A_17, %scan3A_18 : i32
    %scan3A_20 = arith.constant 1 : i32
    scf.for %scan3A_30 = %scan3A_17 to %scan3A_19 step %scan3A_20  : i32 {
      "tpu.region"() ({
        %run_scoped3A = tpu.sem_alloc : memref<!tpu.dma_semaphore, #tpu.memory_space<semaphore_mem>>
        %dma_start3A = arith.constant 0 : i32
        %dma_start3A_31 = tpu.memref_slice %arg4[%scan3A_30, %dma_start3A] : memref<80x128xi32, #tpu.memory_space<vmem>> -> memref<1x128xi32, #tpu.memory_space<vmem>>
        %dma_start3A_32 = tpu.memref_squeeze %dma_start3A_31 : memref<1x128xi32, #tpu.memory_space<vmem>> -> memref<128xi32, #tpu.memory_space<vmem>>
        %dma_start3A_33 = arith.constant 0 : i32
        %dma_start3A_34 = tpu.memref_slice %arg7[%dma_start3A_33] : memref<10240xf32, #tpu.memory_space<vmem_shared>> -> memref<10240xf32, #tpu.memory_space<vmem_shared>>
        tpu.enqueue_indirect_dma source(%arg6 : memref<128xf32, #tpu.memory_space<vmem>>) target(%dma_start3A_34 : memref<10240xf32, #tpu.memory_space<vmem_shared>>) offsets(%dma_start3A_32 : memref<128xi32, #tpu.memory_space<vmem>>) semaphore(%run_scoped3A : memref<!tpu.dma_semaphore, #tpu.memory_space<semaphore_mem>>) {add = true}
        %dma_wait3A = arith.constant 0 : i32
        %dma_wait3A_35 = tpu.memref_slice %arg4[%scan3A_30, %dma_wait3A] : memref<80x128xi32, #tpu.memory_space<vmem>> -> memref<1x128xi32, #tpu.memory_space<vmem>>
        %dma_wait3A_36 = tpu.memref_squeeze %dma_wait3A_35 : memref<1x128xi32, #tpu.memory_space<vmem>> -> memref<128xi32, #tpu.memory_space<vmem>>
        %dma_wait3A_37 = arith.constant 0 : i32
        %dma_wait3A_38 = tpu.memref_slice %arg7[%dma_wait3A_37] : memref<10240xf32, #tpu.memory_space<vmem_shared>> -> memref<10240xf32, #tpu.memory_space<vmem_shared>>
        tpu.wait_indirect_dma semaphore(%run_scoped3A : memref<!tpu.dma_semaphore, #tpu.memory_space<semaphore_mem>>) src(%arg6 : memref<128xf32, #tpu.memory_space<vmem>>) dst(%dma_wait3A_38 : memref<10240xf32, #tpu.memory_space<vmem_shared>>)
        tpu.yield
      }) : () -> ()
    }
    %scan3A_21 = arith.constant 80 : i32
    %barrier3A_22 = arith.constant 0 : index
    tpu.barrier barrier_id(%barrier3A_22)
    %mul3A_23 = arith.constant 640 : i32
    %mul3A_24 = arith.muli %arg1, %mul3A_23 : i32
    %mul3A_25 = arith.constant 10240 : i32
    %mul3A_26 = arith.muli %arg0, %mul3A_25 : i32
    %mul3A_27 = arith.constant 640 : i32
    %mul3A_28 = arith.muli %arg1, %mul3A_27 : i32
    %add3A_29 = arith.addi %mul3A_26, %mul3A_28 : i32
    "tpu.region"() ({
      %run_scoped3A = tpu.sem_alloc : memref<!tpu.dma_semaphore, #tpu.memory_space<semaphore_mem>>
      %dma_start3A = tpu.memref_slice %arg3[%add3A_29] : memref<20480xf32, #tpu.memory_space<hbm>> -> memref<640xf32, #tpu.memory_space<hbm>>
      %dma_start3A_30 = tpu.memref_slice %arg7[%mul3A_24] : memref<10240xf32, #tpu.memory_space<vmem_shared>> -> memref<640xf32, #tpu.memory_space<vmem_shared>>
      tpu.enqueue_dma source(%dma_start3A_30 : memref<640xf32, #tpu.memory_space<vmem_shared>>) target(%dma_start3A : memref<640xf32, #tpu.memory_space<hbm>>) target_semaphore(%run_scoped3A : memref<!tpu.dma_semaphore, #tpu.memory_space<semaphore_mem>>)
      %dma_wait3A = tpu.memref_slice %arg3[%add3A_29] : memref<20480xf32, #tpu.memory_space<hbm>> -> memref<640xf32, #tpu.memory_space<hbm>>
      %dma_wait3A_31 = tpu.memref_slice %arg7[%mul3A_24] : memref<10240xf32, #tpu.memory_space<vmem_shared>> -> memref<640xf32, #tpu.memory_space<vmem_shared>>
      tpu.wait_dma2 semaphore(%run_scoped3A : memref<!tpu.dma_semaphore, #tpu.memory_space<semaphore_mem>>) src(%dma_wait3A_31 : memref<640xf32, #tpu.memory_space<vmem_shared>>) dst(%dma_wait3A : memref<640xf32, #tpu.memory_space<hbm>>)
      tpu.yield
    }) : () -> ()
    return
  }
}

#map = affine_map<(d0, d1) -> (0, 0)>
module attributes {stable_mosaic.version = 14 : i64} {
  func.func @_sc_aggregate(%arg0: i32, %arg1: i32, %arg2: memref<10240x128xf32, #tpu.memory_space<hbm>>, %arg3: memref<2560x128xi32, #tpu.memory_space<hbm>>, %arg4: memref<2560x128xi32, #tpu.memory_space<hbm>>, %arg5: memref<20480x128xf32, #tpu.memory_space<hbm>>, %arg6: memref<80x128xi32, #tpu.memory_space<vmem>>, %arg7: memref<80x128xi32, #tpu.memory_space<vmem>>, %arg8: memref<128x128xf32, #tpu.memory_space<vmem>>, %arg9: memref<10240x128xf32, #tpu.memory_space<vmem_shared>>, %arg10: memref<!tpu.dma_semaphore, #tpu.memory_space<semaphore_mem>>) attributes {dimension_semantics = [#tpu.dimension_semantics<core_parallel>, #tpu.dimension_semantics<subcore_parallel>], iteration_bounds = array<i64: 2, 16>, scalar_prefetch = 0 : i64, scratch_operands = 5 : i64, tpu.core_type = #tpu.core_type<sc_vector_subcore>, window_params = [{transform_indices = #map}, {transform_indices = #map}, {transform_indices = #map}, {transform_indices = #map}]} {
    %mul3A = arith.constant 16 : i32
    %mul3A_0 = arith.muli %arg0, %mul3A : i32
    %add3A = arith.addi %mul3A_0, %arg1 : i32
    %mul3A_1 = arith.constant 80 : i32
    %mul3A_2 = arith.muli %add3A, %mul3A_1 : i32
    "tpu.region"() ({
      %run_scoped3A = tpu.sem_alloc : memref<!tpu.dma_semaphore, #tpu.memory_space<semaphore_mem>>
      %dma_start3A = arith.constant 0 : i32
      %dma_start3A_22 = tpu.memref_slice %arg3[%mul3A_2, %dma_start3A] : memref<2560x128xi32, #tpu.memory_space<hbm>> -> memref<80x128xi32, #tpu.memory_space<hbm>>
      %dma_start3A_23 = arith.constant 0 : i32
      %dma_start3A_24 = tpu.memref_slice %arg3[%mul3A_2, %dma_start3A_23] : memref<2560x128xi32, #tpu.memory_space<hbm>> -> memref<80x128xi32, #tpu.memory_space<hbm>>
      tpu.enqueue_dma source(%dma_start3A_24 : memref<80x128xi32, #tpu.memory_space<hbm>>) target(%arg6 : memref<80x128xi32, #tpu.memory_space<vmem>>) target_semaphore(%run_scoped3A : memref<!tpu.dma_semaphore, #tpu.memory_space<semaphore_mem>>)
      %dma_wait3A = arith.constant 0 : i32
      %dma_wait3A_25 = tpu.memref_slice %arg3[%mul3A_2, %dma_wait3A] : memref<2560x128xi32, #tpu.memory_space<hbm>> -> memref<80x128xi32, #tpu.memory_space<hbm>>
      %dma_wait3A_26 = arith.constant 0 : i32
      %dma_wait3A_27 = tpu.memref_slice %arg3[%mul3A_2, %dma_wait3A_26] : memref<2560x128xi32, #tpu.memory_space<hbm>> -> memref<80x128xi32, #tpu.memory_space<hbm>>
      tpu.wait_dma2 semaphore(%run_scoped3A : memref<!tpu.dma_semaphore, #tpu.memory_space<semaphore_mem>>) src(%dma_wait3A_27 : memref<80x128xi32, #tpu.memory_space<hbm>>) dst(%arg6 : memref<80x128xi32, #tpu.memory_space<vmem>>)
      tpu.yield
    }) : () -> ()
    %mul3A_3 = arith.constant 80 : i32
    %mul3A_4 = arith.muli %add3A, %mul3A_3 : i32
    "tpu.region"() ({
      %run_scoped3A = tpu.sem_alloc : memref<!tpu.dma_semaphore, #tpu.memory_space<semaphore_mem>>
      %dma_start3A = arith.constant 0 : i32
      %dma_start3A_22 = tpu.memref_slice %arg4[%mul3A_4, %dma_start3A] : memref<2560x128xi32, #tpu.memory_space<hbm>> -> memref<80x128xi32, #tpu.memory_space<hbm>>
      %dma_start3A_23 = arith.constant 0 : i32
      %dma_start3A_24 = tpu.memref_slice %arg4[%mul3A_4, %dma_start3A_23] : memref<2560x128xi32, #tpu.memory_space<hbm>> -> memref<80x128xi32, #tpu.memory_space<hbm>>
      tpu.enqueue_dma source(%dma_start3A_24 : memref<80x128xi32, #tpu.memory_space<hbm>>) target(%arg7 : memref<80x128xi32, #tpu.memory_space<vmem>>) target_semaphore(%run_scoped3A : memref<!tpu.dma_semaphore, #tpu.memory_space<semaphore_mem>>)
      %dma_wait3A = arith.constant 0 : i32
      %dma_wait3A_25 = tpu.memref_slice %arg4[%mul3A_4, %dma_wait3A] : memref<2560x128xi32, #tpu.memory_space<hbm>> -> memref<80x128xi32, #tpu.memory_space<hbm>>
      %dma_wait3A_26 = arith.constant 0 : i32
      %dma_wait3A_27 = tpu.memref_slice %arg4[%mul3A_4, %dma_wait3A_26] : memref<2560x128xi32, #tpu.memory_space<hbm>> -> memref<80x128xi32, #tpu.memory_space<hbm>>
      tpu.wait_dma2 semaphore(%run_scoped3A : memref<!tpu.dma_semaphore, #tpu.memory_space<semaphore_mem>>) src(%dma_wait3A_27 : memref<80x128xi32, #tpu.memory_space<hbm>>) dst(%arg7 : memref<80x128xi32, #tpu.memory_space<vmem>>)
      tpu.yield
    }) : () -> ()
    %mul3A_5 = arith.constant 640 : i32
    %mul3A_6 = arith.muli %arg1, %mul3A_5 : i32
    %mul3A_7 = arith.constant 640 : i32
    %mul3A_8 = arith.muli %arg1, %mul3A_7 : i32
    "tpu.region"() ({
      %run_scoped3A = tpu.sem_alloc : memref<!tpu.dma_semaphore, #tpu.memory_space<semaphore_mem>>
      %dma_start3A = arith.constant 0 : i32
      %dma_start3A_22 = tpu.memref_slice %arg9[%mul3A_8, %dma_start3A] : memref<10240x128xf32, #tpu.memory_space<vmem_shared>> -> memref<640x128xf32, #tpu.memory_space<vmem_shared>>
      %dma_start3A_23 = arith.constant 0 : i32
      %dma_start3A_24 = tpu.memref_slice %arg2[%mul3A_6, %dma_start3A_23] : memref<10240x128xf32, #tpu.memory_space<hbm>> -> memref<640x128xf32, #tpu.memory_space<hbm>>
      tpu.enqueue_dma source(%dma_start3A_24 : memref<640x128xf32, #tpu.memory_space<hbm>>) target(%dma_start3A_22 : memref<640x128xf32, #tpu.memory_space<vmem_shared>>) target_semaphore(%run_scoped3A : memref<!tpu.dma_semaphore, #tpu.memory_space<semaphore_mem>>)
      %dma_wait3A = arith.constant 0 : i32
      %dma_wait3A_25 = tpu.memref_slice %arg9[%mul3A_8, %dma_wait3A] : memref<10240x128xf32, #tpu.memory_space<vmem_shared>> -> memref<640x128xf32, #tpu.memory_space<vmem_shared>>
      %dma_wait3A_26 = arith.constant 0 : i32
      %dma_wait3A_27 = tpu.memref_slice %arg2[%mul3A_6, %dma_wait3A_26] : memref<10240x128xf32, #tpu.memory_space<hbm>> -> memref<640x128xf32, #tpu.memory_space<hbm>>
      tpu.wait_dma2 semaphore(%run_scoped3A : memref<!tpu.dma_semaphore, #tpu.memory_space<semaphore_mem>>) src(%dma_wait3A_27 : memref<640x128xf32, #tpu.memory_space<hbm>>) dst(%dma_wait3A_25 : memref<640x128xf32, #tpu.memory_space<vmem_shared>>)
      tpu.yield
    }) : () -> ()
    %barrier3A = arith.constant 0 : index
    tpu.barrier barrier_id(%barrier3A)
    %scan3A = arith.constant 0 : i32
    %scan3A_9 = arith.constant 0 : i32
    %scan3A_10 = arith.constant 80 : i32
    %scan3A_11 = arith.addi %scan3A_9, %scan3A_10 : i32
    %scan3A_12 = arith.constant 1 : i32
    scf.for %scan3A_22 = %scan3A_9 to %scan3A_11 step %scan3A_12  : i32 {
      %dma_start3A = arith.constant 0 : i32
      %dma_start3A_23 = tpu.memref_slice %arg6[%scan3A_22, %dma_start3A] : memref<80x128xi32, #tpu.memory_space<vmem>> -> memref<1x128xi32, #tpu.memory_space<vmem>>
      %dma_start3A_24 = tpu.memref_squeeze %dma_start3A_23 : memref<1x128xi32, #tpu.memory_space<vmem>> -> memref<128xi32, #tpu.memory_space<vmem>>
      %dma_start3A_25 = arith.constant 0 : i32
      %dma_start3A_26 = arith.constant 0 : i32
      %dma_start3A_27 = tpu.memref_slice %arg2[%dma_start3A_25, %dma_start3A_26] : memref<10240x128xf32, #tpu.memory_space<hbm>> -> memref<10240x128xf32, #tpu.memory_space<hbm>>
      tpu.enqueue_indirect_dma source(%dma_start3A_27 : memref<10240x128xf32, #tpu.memory_space<hbm>>) target(%arg8 : memref<128x128xf32, #tpu.memory_space<vmem>>) offsets(%dma_start3A_24 : memref<128xi32, #tpu.memory_space<vmem>>) semaphore(%arg10 : memref<!tpu.dma_semaphore, #tpu.memory_space<semaphore_mem>>)
      %dma_wait3A = arith.constant 0 : i32
      %dma_wait3A_28 = tpu.memref_slice %arg6[%scan3A_22, %dma_wait3A] : memref<80x128xi32, #tpu.memory_space<vmem>> -> memref<1x128xi32, #tpu.memory_space<vmem>>
      %dma_wait3A_29 = tpu.memref_squeeze %dma_wait3A_28 : memref<1x128xi32, #tpu.memory_space<vmem>> -> memref<128xi32, #tpu.memory_space<vmem>>
      %dma_wait3A_30 = arith.constant 0 : i32
      %dma_wait3A_31 = arith.constant 0 : i32
      %dma_wait3A_32 = tpu.memref_slice %arg2[%dma_wait3A_30, %dma_wait3A_31] : memref<10240x128xf32, #tpu.memory_space<hbm>> -> memref<10240x128xf32, #tpu.memory_space<hbm>>
      tpu.wait_indirect_dma semaphore(%arg10 : memref<!tpu.dma_semaphore, #tpu.memory_space<semaphore_mem>>) src(%dma_wait3A_32 : memref<10240x128xf32, #tpu.memory_space<hbm>>) dst(%arg8 : memref<128x128xf32, #tpu.memory_space<vmem>>)
      "tpu.region"() ({
        %run_scoped3A = tpu.sem_alloc : memref<!tpu.dma_semaphore, #tpu.memory_space<semaphore_mem>>
        %dma_start3A_33 = arith.constant 0 : i32
        %dma_start3A_34 = tpu.memref_slice %arg7[%scan3A_22, %dma_start3A_33] : memref<80x128xi32, #tpu.memory_space<vmem>> -> memref<1x128xi32, #tpu.memory_space<vmem>>
        %dma_start3A_35 = tpu.memref_squeeze %dma_start3A_34 : memref<1x128xi32, #tpu.memory_space<vmem>> -> memref<128xi32, #tpu.memory_space<vmem>>
        %dma_start3A_36 = arith.constant 0 : i32
        %dma_start3A_37 = arith.constant 0 : i32
        %dma_start3A_38 = tpu.memref_slice %arg9[%dma_start3A_36, %dma_start3A_37] : memref<10240x128xf32, #tpu.memory_space<vmem_shared>> -> memref<10240x128xf32, #tpu.memory_space<vmem_shared>>
        tpu.enqueue_indirect_dma source(%arg8 : memref<128x128xf32, #tpu.memory_space<vmem>>) target(%dma_start3A_38 : memref<10240x128xf32, #tpu.memory_space<vmem_shared>>) offsets(%dma_start3A_35 : memref<128xi32, #tpu.memory_space<vmem>>) semaphore(%run_scoped3A : memref<!tpu.dma_semaphore, #tpu.memory_space<semaphore_mem>>) {add = true}
        %dma_wait3A_39 = arith.constant 0 : i32
        %dma_wait3A_40 = tpu.memref_slice %arg7[%scan3A_22, %dma_wait3A_39] : memref<80x128xi32, #tpu.memory_space<vmem>> -> memref<1x128xi32, #tpu.memory_space<vmem>>
        %dma_wait3A_41 = tpu.memref_squeeze %dma_wait3A_40 : memref<1x128xi32, #tpu.memory_space<vmem>> -> memref<128xi32, #tpu.memory_space<vmem>>
        %dma_wait3A_42 = arith.constant 0 : i32
        %dma_wait3A_43 = arith.constant 0 : i32
        %dma_wait3A_44 = tpu.memref_slice %arg9[%dma_wait3A_42, %dma_wait3A_43] : memref<10240x128xf32, #tpu.memory_space<vmem_shared>> -> memref<10240x128xf32, #tpu.memory_space<vmem_shared>>
        tpu.wait_indirect_dma semaphore(%run_scoped3A : memref<!tpu.dma_semaphore, #tpu.memory_space<semaphore_mem>>) src(%arg8 : memref<128x128xf32, #tpu.memory_space<vmem>>) dst(%dma_wait3A_44 : memref<10240x128xf32, #tpu.memory_space<vmem_shared>>)
        tpu.yield
      }) : () -> ()
    }
    %scan3A_13 = arith.constant 80 : i32
    %barrier3A_14 = arith.constant 0 : index
    tpu.barrier barrier_id(%barrier3A_14)
    %mul3A_15 = arith.constant 640 : i32
    %mul3A_16 = arith.muli %arg1, %mul3A_15 : i32
    %mul3A_17 = arith.constant 10240 : i32
    %mul3A_18 = arith.muli %arg0, %mul3A_17 : i32
    %mul3A_19 = arith.constant 640 : i32
    %mul3A_20 = arith.muli %arg1, %mul3A_19 : i32
    %add3A_21 = arith.addi %mul3A_18, %mul3A_20 : i32
    "tpu.region"() ({
      %run_scoped3A = tpu.sem_alloc : memref<!tpu.dma_semaphore, #tpu.memory_space<semaphore_mem>>
      %dma_start3A = arith.constant 0 : i32
      %dma_start3A_22 = tpu.memref_slice %arg5[%add3A_21, %dma_start3A] : memref<20480x128xf32, #tpu.memory_space<hbm>> -> memref<640x128xf32, #tpu.memory_space<hbm>>
      %dma_start3A_23 = arith.constant 0 : i32
      %dma_start3A_24 = tpu.memref_slice %arg9[%mul3A_16, %dma_start3A_23] : memref<10240x128xf32, #tpu.memory_space<vmem_shared>> -> memref<640x128xf32, #tpu.memory_space<vmem_shared>>
      tpu.enqueue_dma source(%dma_start3A_24 : memref<640x128xf32, #tpu.memory_space<vmem_shared>>) target(%dma_start3A_22 : memref<640x128xf32, #tpu.memory_space<hbm>>) target_semaphore(%run_scoped3A : memref<!tpu.dma_semaphore, #tpu.memory_space<semaphore_mem>>)
      %dma_wait3A = arith.constant 0 : i32
      %dma_wait3A_25 = tpu.memref_slice %arg5[%add3A_21, %dma_wait3A] : memref<20480x128xf32, #tpu.memory_space<hbm>> -> memref<640x128xf32, #tpu.memory_space<hbm>>
      %dma_wait3A_26 = arith.constant 0 : i32
      %dma_wait3A_27 = tpu.memref_slice %arg9[%mul3A_16, %dma_wait3A_26] : memref<10240x128xf32, #tpu.memory_space<vmem_shared>> -> memref<640x128xf32, #tpu.memory_space<vmem_shared>>
      tpu.wait_dma2 semaphore(%run_scoped3A : memref<!tpu.dma_semaphore, #tpu.memory_space<semaphore_mem>>) src(%dma_wait3A_27 : memref<640x128xf32, #tpu.memory_space<vmem_shared>>) dst(%dma_wait3A_25 : memref<640x128xf32, #tpu.memory_space<hbm>>)
      tpu.yield
    }) : () -> ()
    return
  }
}

module attributes {stable_mosaic.version = 14 : i64} {
  func.func @_prep_body(%arg0: i32, %arg1: memref<2048x128xf32, #tpu.memory_space<vmem>>, %arg2: memref<128x128xf32, #tpu.memory_space<vmem>>, %arg3: memref<2048xf32, #tpu.memory_space<vmem>>, %arg4: memref<2048xf32, #tpu.memory_space<vmem>>, %arg5: memref<2048x128xf32, #tpu.memory_space<vmem>>, %arg6: memref<2048xf32, #tpu.memory_space<vmem>>) attributes {dimension_semantics = [#tpu.dimension_semantics<arbitrary>], iteration_bounds = array<i64: 5>, scalar_prefetch = 0 : i64, scratch_operands = 0 : i64, tpu.core_type = #tpu.core_type<tc>, window_params = [{transform_indices = @transform_0, window_bounds = array<i64: 2048, 128>}, {pipeline_mode = #tpu.pipeline_mode<synchronous>, transform_indices = @transform_1, window_bounds = array<i64: 128, 128>}, {transform_indices = @transform_2, window_bounds = array<i64: 2048>}, {transform_indices = @transform_3, window_bounds = array<i64: 2048>}, {transform_indices = @transform_4, window_bounds = array<i64: 2048, 128>}, {transform_indices = @transform_5, window_bounds = array<i64: 2048>}]} {
    %get3A = arith.constant 0 : index
    %get3A_0 = vector.load %arg3[%get3A] : memref<2048xf32, #tpu.memory_space<vmem>>, vector<2048xf32>
    %get3A_1 = arith.constant 0 : index
    %get3A_2 = vector.load %arg4[%get3A_1] : memref<2048xf32, #tpu.memory_space<vmem>>, vector<2048xf32>
    %add3A = arith.addf %get3A_0, %get3A_2 : vector<2048xf32>
    %add3A_3 = arith.constant 1.000000e+00 : f32
    %add3A_4 = vector.broadcast %add3A_3 : f32 to vector<2048xf32>
    %add3A_5 = arith.addf %add3A, %add3A_4 : vector<2048xf32>
    %rsqrt3A = math.rsqrt %add3A_5 : vector<2048xf32>
    %iota3A = tpu.iota {dimensions = array<i32: 0>} : vector<2048x1xi32>
    %mul3A = arith.constant 2048 : i32
    %mul3A_6 = arith.muli %arg0, %mul3A : i32
    %add3A_7 = vector.broadcast %mul3A_6 : i32 to vector<2048x1xi32>
    %add3A_8 = arith.addi %iota3A, %add3A_7 : vector<2048x1xi32>
    %lt3A = arith.constant 10000 : i32
    %lt3A_9 = vector.broadcast %lt3A : i32 to vector<2048x1xi32>
    %lt3A_10 = arith.cmpi slt, %add3A_8, %lt3A_9 : vector<2048x1xi32>
    %get3A_11 = arith.constant 0 : index
    %get3A_12 = arith.constant 0 : index
    %get3A_13 = vector.load %arg1[%get3A_11, %get3A_12] : memref<2048x128xf32, #tpu.memory_space<vmem>>, vector<2048x128xf32>
    %get3A_14 = arith.constant 0 : index
    %get3A_15 = arith.constant 0 : index
    %get3A_16 = vector.load %arg2[%get3A_14, %get3A_15] : memref<128x128xf32, #tpu.memory_space<vmem>>, vector<128x128xf32>
    %dot_general3A = arith.constant dense<0.000000e+00> : vector<2048x128xf32>
    %dot_general3A_17 = tpu.matmul %get3A_13, %get3A_16, %dot_general3A {dimension_numbers = #tpu.dot_dimension_numbers<[1], [1], [0], [0], [0, 0, 1, 0], [], []>, transpose_lhs_hint = false} : vector<2048x128xf32>, vector<128x128xf32>, vector<2048x128xf32> -> vector<2048x128xf32>
    %broadcast_in_dim3A = vector.shape_cast %rsqrt3A : vector<2048xf32> to vector<2048x1xf32>
    %mul3A_18 = vector.broadcast %broadcast_in_dim3A : vector<2048x1xf32> to vector<2048x128xf32>
    %mul3A_19 = arith.mulf %dot_general3A_17, %mul3A_18 : vector<2048x128xf32>
    %jit3A = arith.constant 0.000000e+00 : f32
    %broadcast_in_dim3A_20 = vector.shape_cast %lt3A_10 : vector<2048x1xi1> to vector<2048x1xi1>
    %broadcast_in_dim3A_21 = vector.broadcast %broadcast_in_dim3A_20 : vector<2048x1xi1> to vector<2048x128xi1>
    %broadcast_in_dim3A_22 = vector.broadcast %jit3A : f32 to vector<2048x128xf32>
    %select_n3A = arith.select %broadcast_in_dim3A_21, %mul3A_19, %broadcast_in_dim3A_22 : vector<2048x128xi1>, vector<2048x128xf32>
    %swap3A = arith.constant 0 : index
    %swap3A_23 = arith.constant 0 : index
    %swap3A_24 = vector.load %arg5[%swap3A, %swap3A_23] : memref<2048x128xf32, #tpu.memory_space<vmem>>, vector<2048x128xf32>
    tpu.vector_store %arg5[%swap3A, %swap3A_23], %select_n3A {strides = array<i32>} : memref<2048x128xf32, #tpu.memory_space<vmem>>, vector<2048x128xf32>,
    %swap3A_25 = arith.constant 0 : index
    %swap3A_26 = vector.load %arg6[%swap3A_25] : memref<2048xf32, #tpu.memory_space<vmem>>, vector<2048xf32>
    tpu.vector_store %arg6[%swap3A_25], %rsqrt3A {strides = array<i32>} : memref<2048xf32, #tpu.memory_space<vmem>>, vector<2048xf32>,
    return
  }
  func.func @transform_0(%arg0: i32) -> (i32, i32) {
    %c0_i32 = arith.constant 0 : i32
    %c0_i32_0 = arith.constant 0 : i32
    return %arg0, %c0_i32 : i32, i32
  }
  func.func @transform_1(%arg0: i32) -> (i32, i32) {
    %c0_i32 = arith.constant 0 : i32
    %c0_i32_0 = arith.constant 0 : i32
    %c0_i32_1 = arith.constant 0 : i32
    return %c0_i32, %c0_i32_0 : i32, i32
  }
  func.func @transform_2(%arg0: i32) -> i32 {
    %c0_i32 = arith.constant 0 : i32
    return %arg0 : i32
  }
  func.func @transform_3(%arg0: i32) -> i32 {
    %add3A = arith.constant 5 : i32
    %add3A_0 = arith.addi %arg0, %add3A : i32
    %c0_i32 = arith.constant 0 : i32
    return %add3A_0 : i32
  }
  func.func @transform_4(%arg0: i32) -> (i32, i32) {
    %c0_i32 = arith.constant 0 : i32
    %c0_i32_0 = arith.constant 0 : i32
    return %arg0, %c0_i32 : i32, i32
  }
  func.func @transform_5(%arg0: i32) -> i32 {
    %c0_i32 = arith.constant 0 : i32
    return %arg0 : i32
  }
}

module attributes {stable_mosaic.version = 14 : i64} {
  func.func @_mid_body(%arg0: i32, %arg1: memref<2048x128xf32, #tpu.memory_space<vmem>>, %arg2: memref<2048x128xf32, #tpu.memory_space<vmem>>, %arg3: memref<2048x128xf32, #tpu.memory_space<vmem>>, %arg4: memref<2048xf32, #tpu.memory_space<vmem>>, %arg5: memref<128xf32, #tpu.memory_space<vmem>>, %arg6: memref<128x128xf32, #tpu.memory_space<vmem>>, %arg7: memref<2048x128xf32, #tpu.memory_space<vmem>>) attributes {dimension_semantics = [#tpu.dimension_semantics<arbitrary>], iteration_bounds = array<i64: 5>, scalar_prefetch = 0 : i64, scratch_operands = 0 : i64, tpu.core_type = #tpu.core_type<tc>, window_params = [{transform_indices = @transform_0, window_bounds = array<i64: 2048, 128>}, {transform_indices = @transform_1, window_bounds = array<i64: 2048, 128>}, {transform_indices = @transform_2, window_bounds = array<i64: 2048, 128>}, {transform_indices = @transform_3, window_bounds = array<i64: 2048>}, {pipeline_mode = #tpu.pipeline_mode<synchronous>, transform_indices = @transform_4, window_bounds = array<i64: 128>}, {pipeline_mode = #tpu.pipeline_mode<synchronous>, transform_indices = @transform_5, window_bounds = array<i64: 128, 128>}, {transform_indices = @transform_6, window_bounds = array<i64: 2048, 128>}]} {
    %get3A = arith.constant 0 : index
    %get3A_0 = vector.load %arg4[%get3A] : memref<2048xf32, #tpu.memory_space<vmem>>, vector<2048xf32>
    %broadcast_in_dim3A = vector.shape_cast %get3A_0 : vector<2048xf32> to vector<2048x1xf32>
    %get3A_1 = arith.constant 0 : index
    %get3A_2 = arith.constant 0 : index
    %get3A_3 = vector.load %arg1[%get3A_1, %get3A_2] : memref<2048x128xf32, #tpu.memory_space<vmem>>, vector<2048x128xf32>
    %get3A_4 = arith.constant 0 : index
    %get3A_5 = arith.constant 0 : index
    %get3A_6 = vector.load %arg2[%get3A_4, %get3A_5] : memref<2048x128xf32, #tpu.memory_space<vmem>>, vector<2048x128xf32>
    %add3A = arith.addf %get3A_3, %get3A_6 : vector<2048x128xf32>
    %get3A_7 = arith.constant 0 : index
    %get3A_8 = arith.constant 0 : index
    %get3A_9 = vector.load %arg3[%get3A_7, %get3A_8] : memref<2048x128xf32, #tpu.memory_space<vmem>>, vector<2048x128xf32>
    %sub3A = arith.subf %add3A, %get3A_9 : vector<2048x128xf32>
    %mul3A = vector.broadcast %broadcast_in_dim3A : vector<2048x1xf32> to vector<2048x128xf32>
    %mul3A_10 = arith.mulf %mul3A, %sub3A : vector<2048x128xf32>
    %get3A_11 = arith.constant 0 : index
    %get3A_12 = vector.load %arg5[%get3A_11] : memref<128xf32, #tpu.memory_space<vmem>>, vector<128xf32>
    %broadcast_in_dim3A_13 = vector.shape_cast %get3A_12 : vector<128xf32> to vector<1x128xf32>
    %add3A_14 = vector.broadcast %broadcast_in_dim3A_13 : vector<1x128xf32> to vector<2048x128xf32>
    %add3A_15 = arith.addf %mul3A_10, %add3A_14 : vector<2048x128xf32>
    %max3A = arith.constant 0.000000e+00 : f32
    %max3A_16 = vector.broadcast %max3A : f32 to vector<2048x128xf32>
    %max3A_17 = arith.maximumf %add3A_15, %max3A_16 : vector<2048x128xf32>
    %get3A_18 = arith.constant 0 : index
    %get3A_19 = arith.constant 0 : index
    %get3A_20 = vector.load %arg6[%get3A_18, %get3A_19] : memref<128x128xf32, #tpu.memory_space<vmem>>, vector<128x128xf32>
    %dot_general3A = arith.constant dense<0.000000e+00> : vector<2048x128xf32>
    %dot_general3A_21 = tpu.matmul %max3A_17, %get3A_20, %dot_general3A {dimension_numbers = #tpu.dot_dimension_numbers<[1], [1], [0], [0], [0, 0, 1, 0], [], []>, transpose_lhs_hint = false} : vector<2048x128xf32>, vector<128x128xf32>, vector<2048x128xf32> -> vector<2048x128xf32>
    %iota3A = tpu.iota {dimensions = array<i32: 0>} : vector<2048x1xi32>
    %mul3A_22 = arith.constant 2048 : i32
    %mul3A_23 = arith.muli %arg0, %mul3A_22 : i32
    %add3A_24 = vector.broadcast %mul3A_23 : i32 to vector<2048x1xi32>
    %add3A_25 = arith.addi %iota3A, %add3A_24 : vector<2048x1xi32>
    %lt3A = arith.constant 10000 : i32
    %lt3A_26 = vector.broadcast %lt3A : i32 to vector<2048x1xi32>
    %lt3A_27 = arith.cmpi slt, %add3A_25, %lt3A_26 : vector<2048x1xi32>
    %broadcast_in_dim3A_28 = vector.shape_cast %get3A_0 : vector<2048xf32> to vector<2048x1xf32>
    %mul3A_29 = vector.broadcast %broadcast_in_dim3A_28 : vector<2048x1xf32> to vector<2048x128xf32>
    %mul3A_30 = arith.mulf %dot_general3A_21, %mul3A_29 : vector<2048x128xf32>
    %jit3A = arith.constant 0.000000e+00 : f32
    %broadcast_in_dim3A_31 = vector.shape_cast %lt3A_27 : vector<2048x1xi1> to vector<2048x1xi1>
    %broadcast_in_dim3A_32 = vector.broadcast %broadcast_in_dim3A_31 : vector<2048x1xi1> to vector<2048x128xi1>
    %broadcast_in_dim3A_33 = vector.broadcast %jit3A : f32 to vector<2048x128xf32>
    %select_n3A = arith.select %broadcast_in_dim3A_32, %mul3A_30, %broadcast_in_dim3A_33 : vector<2048x128xi1>, vector<2048x128xf32>
    %swap3A = arith.constant 0 : index
    %swap3A_34 = arith.constant 0 : index
    %swap3A_35 = vector.load %arg7[%swap3A, %swap3A_34] : memref<2048x128xf32, #tpu.memory_space<vmem>>, vector<2048x128xf32>
    tpu.vector_store %arg7[%swap3A, %swap3A_34], %select_n3A {strides = array<i32>} : memref<2048x128xf32, #tpu.memory_space<vmem>>, vector<2048x128xf32>,
    return
  }
  func.func @transform_0(%arg0: i32) -> (i32, i32) {
    %c0_i32 = arith.constant 0 : i32
    %c0_i32_0 = arith.constant 0 : i32
    return %arg0, %c0_i32 : i32, i32
  }
  func.func @transform_1(%arg0: i32) -> (i32, i32) {
    %add3A = arith.constant 5 : i32
    %add3A_0 = arith.addi %arg0, %add3A : i32
    %c0_i32 = arith.constant 0 : i32
    %c0_i32_1 = arith.constant 0 : i32
    return %add3A_0, %c0_i32 : i32, i32
  }
  func.func @transform_2(%arg0: i32) -> (i32, i32) {
    %c0_i32 = arith.constant 0 : i32
    %c0_i32_0 = arith.constant 0 : i32
    return %arg0, %c0_i32 : i32, i32
  }
  func.func @transform_3(%arg0: i32) -> i32 {
    %c0_i32 = arith.constant 0 : i32
    return %arg0 : i32
  }
  func.func @transform_4(%arg0: i32) -> i32 {
    %c0_i32 = arith.constant 0 : i32
    %c0_i32_0 = arith.constant 0 : i32
    return %c0_i32 : i32
  }
  func.func @transform_5(%arg0: i32) -> (i32, i32) {
    %c0_i32 = arith.constant 0 : i32
    %c0_i32_0 = arith.constant 0 : i32
    %c0_i32_1 = arith.constant 0 : i32
    return %c0_i32, %c0_i32_0 : i32, i32
  }
  func.func @transform_6(%arg0: i32) -> (i32, i32) {
    %c0_i32 = arith.constant 0 : i32
    %c0_i32_0 = arith.constant 0 : i32
    return %arg0, %c0_i32 : i32, i32
  }
}

module attributes {stable_mosaic.version = 14 : i64} {
  func.func @_final_body(%arg0: i32, %arg1: memref<2048x128xf32, #tpu.memory_space<vmem>>, %arg2: memref<2048x128xf32, #tpu.memory_space<vmem>>, %arg3: memref<2048x128xf32, #tpu.memory_space<vmem>>, %arg4: memref<2048xf32, #tpu.memory_space<vmem>>, %arg5: memref<128xf32, #tpu.memory_space<vmem>>, %arg6: memref<2048x128xf32, #tpu.memory_space<vmem>>) attributes {dimension_semantics = [#tpu.dimension_semantics<arbitrary>], iteration_bounds = array<i64: 5>, scalar_prefetch = 0 : i64, scratch_operands = 0 : i64, tpu.core_type = #tpu.core_type<tc>, window_params = [{transform_indices = @transform_0, window_bounds = array<i64: 2048, 128>}, {transform_indices = @transform_1, window_bounds = array<i64: 2048, 128>}, {transform_indices = @transform_2, window_bounds = array<i64: 2048, 128>}, {transform_indices = @transform_3, window_bounds = array<i64: 2048>}, {pipeline_mode = #tpu.pipeline_mode<synchronous>, transform_indices = @transform_4, window_bounds = array<i64: 128>}, {transform_indices = @transform_5, window_bounds = array<i64: 2048, 128>}]} {
    %get3A = arith.constant 0 : index
    %get3A_0 = vector.load %arg4[%get3A] : memref<2048xf32, #tpu.memory_space<vmem>>, vector<2048xf32>
    %broadcast_in_dim3A = vector.shape_cast %get3A_0 : vector<2048xf32> to vector<2048x1xf32>
    %get3A_1 = arith.constant 0 : index
    %get3A_2 = arith.constant 0 : index
    %get3A_3 = vector.load %arg1[%get3A_1, %get3A_2] : memref<2048x128xf32, #tpu.memory_space<vmem>>, vector<2048x128xf32>
    %get3A_4 = arith.constant 0 : index
    %get3A_5 = arith.constant 0 : index
    %get3A_6 = vector.load %arg2[%get3A_4, %get3A_5] : memref<2048x128xf32, #tpu.memory_space<vmem>>, vector<2048x128xf32>
    %add3A = arith.addf %get3A_3, %get3A_6 : vector<2048x128xf32>
    %get3A_7 = arith.constant 0 : index
    %get3A_8 = arith.constant 0 : index
    %get3A_9 = vector.load %arg3[%get3A_7, %get3A_8] : memref<2048x128xf32, #tpu.memory_space<vmem>>, vector<2048x128xf32>
    %sub3A = arith.subf %add3A, %get3A_9 : vector<2048x128xf32>
    %mul3A = vector.broadcast %broadcast_in_dim3A : vector<2048x1xf32> to vector<2048x128xf32>
    %mul3A_10 = arith.mulf %mul3A, %sub3A : vector<2048x128xf32>
    %get3A_11 = arith.constant 0 : index
    %get3A_12 = vector.load %arg5[%get3A_11] : memref<128xf32, #tpu.memory_space<vmem>>, vector<128xf32>
    %broadcast_in_dim3A_13 = vector.shape_cast %get3A_12 : vector<128xf32> to vector<1x128xf32>
    %add3A_14 = vector.broadcast %broadcast_in_dim3A_13 : vector<1x128xf32> to vector<2048x128xf32>
    %add3A_15 = arith.addf %mul3A_10, %add3A_14 : vector<2048x128xf32>
    %swap3A = arith.constant 0 : index
    %swap3A_16 = arith.constant 0 : index
    %swap3A_17 = vector.load %arg6[%swap3A, %swap3A_16] : memref<2048x128xf32, #tpu.memory_space<vmem>>, vector<2048x128xf32>
    tpu.vector_store %arg6[%swap3A, %swap3A_16], %add3A_15 {strides = array<i32>} : memref<2048x128xf32, #tpu.memory_space<vmem>>, vector<2048x128xf32>,
    return
  }
  func.func @transform_0(%arg0: i32) -> (i32, i32) {
    %c0_i32 = arith.constant 0 : i32
    %c0_i32_0 = arith.constant 0 : i32
    return %arg0, %c0_i32 : i32, i32
  }
  func.func @transform_1(%arg0: i32) -> (i32, i32) {
    %add3A = arith.constant 5 : i32
    %add3A_0 = arith.addi %arg0, %add3A : i32
    %c0_i32 = arith.constant 0 : i32
    %c0_i32_1 = arith.constant 0 : i32
    return %add3A_0, %c0_i32 : i32, i32
  }
  func.func @transform_2(%arg0: i32) -> (i32, i32) {
    %c0_i32 = arith.constant 0 : i32
    %c0_i32_0 = arith.constant 0 : i32
    return %arg0, %c0_i32 : i32, i32
  }
  func.func @transform_3(%arg0: i32) -> i32 {
    %c0_i32 = arith.constant 0 : i32
    return %arg0 : i32
  }
  func.func @transform_4(%arg0: i32) -> i32 {
    %c0_i32 = arith.constant 0 : i32
    %c0_i32_0 = arith.constant 0 : i32
    return %c0_i32 : i32
  }
  func.func @transform_5(%arg0: i32) -> (i32, i32) {
    %c0_i32 = arith.constant 0 : i32
    %c0_i32_0 = arith.constant 0 : i32
    return %arg0, %c0_i32 : i32, i32
  }
}

</mosaic_0001>

<sc_bundles>
// kernel: kernel.11.cloned.1.call-start
scs
__scs_entry_jumppad:
0x0: {  	(pc) =	sbr.rel $0x88, $3  }
0x1: {  	(tag) =	ssettag $0x0;
	lr =	simm.s32 $0x1  }
0x2: {  	[smem:$0x3F9B] =	sst lr;
	_ =	strace $0xD0000000  }
0x3: {  	_ = 	snop  }
0x4: {  	_ = 	snop  }
0x5: {  	_ = 	snop  }
0x6: {  	_ = 	snop  }
0x7: {  	_ = 	snop  }
__scs_overlays_trampoline_lowered:
0x8: {  	[smem:$0x3FAA] =	sst s0  }
0x9: {  	[smem:$0x3FAB] =	sst s1  }
0xa: {  	[smem:$0x3FAC] =	sst s2  }
0xb: {  	[smem:$0x3FAD] =	sst s3  }
0xc: {  	[smem:$0x3FAE] =	sst s4  }
0xd: {  	[smem:$0x3FAF] =	sst s5  }
0xe: {  	[smem:$0x3FB0] =	sst s6  }
0xf: {  	[smem:$0x3FB1] =	sst s7  }
0x10: {  	[smem:$0x3FB2] =	sst s8  }
0x11: {  	[smem:$0x3FB3] =	sst s9;
	s0 =	simm.s32 @!p0 $0x0  }
0x12: {  	s1 =	sld [smem:$0x3F99];
	s0 =	simm.s32 @p0 $0x1  }
0x13: {  	[smem:$0x3FB4] =	sst s0;
	s0 =	simm.s32 @!p1 $0x0  }
0x14: {  	s2 =	sld [smem:$0x3F98];
	s0 =	simm.s32 @p1 $0x1  }
0x15: {  	[smem:$0x3FB5] =	sst s0;
	s0 =	simm.s32 @!p2 $0x0  }
0x16: {  	s3 =	sld [smem:$0x3FDB];
	s0 =	simm.s32 @p2 $0x1  }
0x17: {  	s4 =	simm.s32 $0x1BF5;
	[smem:$0x3FB7] =	sst s0  }
0x18: {  	s0 =	sld [smem:$0x3F9A];
	_ =	swait.ge [sflag:s4], $0x0  }
0x19: {  	s7 =	sld [smem:$0x3F9B]  }
0x1a: {  	s8 =	sadd.s32 $0xFFFFE003, lr  }
0x1b: {  	s9 =	sadd.s32 $0xFFFFFEF7, lr;
	s5 =	simm.s32 $0xFFFFFFFF;
	p2 =	slt.u32 s8, $0xFFFFF086  }
0x1c: {  	p1 =	slt.u32 s9, $0xF7A;
	s5 =	simm.s32 @!p2 $0x0  }
0x1d: {  	s5 =	simm.s32 @p1 $0x1;
	p0 =	seq.s32 s7, s2  }
0x1e: {  	s7 =	smul.u32 @!p0 $0xF7A, s2;
	p2 =	seq.s32 @!p0 s5, $0x0  }
0x1f: {  	s9 =	smul.u32 $0xF7A, s1;
	s8 =	simm.s32 @!p0 $0x1BF5;
	p2 =	por !p2, p0  }
0x20: {  	[sflag:s8] =	ssyncset.s32 @!p0 $0xFFFFF086;
	s6 =	sadd.s32 @!p0 s3, s7;
	s7 =	simm.s32 @!p0 $0x108  }
0x21: {  	s3 =	sadd.s32 s3, s9;
	s6 =	sadd.s32 @!p0 $0x88, s6;
	s7 =	simm.s32 @p2 $0x1082  }
0x22: {  	[simem:s7], [sflag:s8] =	dma.local @!p0 [hbm:s6], $0xF7A  }
0x23: {  	s9 =	sor.u32 $0xD0000000, s2;
	s6 =	simm.s32 $0x108;
	_ =	swait.ge @!p0 [sflag:s8], $0x0  }
0x24: {  	s3 =	sadd.s32 $0x88, s3;
	s6 =	simm.s32 @!p1 $0x1082;
	[sflag:s4] =	ssyncset.s32 $0xFFFFF086  }
0x25: {  	[simem:s6], [sflag:s4] =	dma.local [hbm:s3], $0xF7A  }
0x26: {  	[smem:$0x3F9B] =	sst s1;
	(tag) =	ssettag s2;
	_ =	strace s9  }
0x27: {  	s1 =	sld [smem:$0x3FAB]  }
0x28: {  	s2 =	sld [smem:$0x3FAC]  }
0x29: {  	s4 =	sld [smem:$0x3FAE]  }
0x2a: {  	p0 =	seq.s32 s5, $0x0;
	s5 =	sld [smem:$0x3FAF]  }
0x2b: {  	s6 =	sld [smem:$0x3FB0]  }
0x2c: {  	s7 =	sld [smem:$0x3FB1]  }
0x2d: {  	s3 =	simm.s32 $0x108;
	s8 =	sld [smem:$0x3FB2]  }
0x2e: {  	s3 =	simm.s32 @!p0 $0x1082;
	s9 =	sld [smem:$0x3FB3]  }
0x2f: {  	lr =	sadd.s32 s0, s3;
	s0 =	sld [smem:$0x3FAA]  }
0x30: {  	s3 =	sld [smem:$0x3FAD]  }
0x31: {  	[smem:$0x3FB6] =	sst s10  }
0x32: {  	s10 =	sld [smem:$0x3FB4];
	_ =	sdelay $0x3  }
0x33: {  	p0 =	seq.s32 s10, $0x1;
	s10 =	sld [smem:$0x3FB6];
	_ =	sdelay $0x3  }
0x34: {  	[smem:$0x3FB6] =	sst s10  }
0x35: {  	s10 =	sld [smem:$0x3FB5];
	_ =	sdelay $0x3  }
0x36: {  	p1 =	seq.s32 s10, $0x1;
	s10 =	sld [smem:$0x3FB6];
	_ =	sdelay $0x3  }
0x37: {  	[smem:$0x3FB6] =	sst s10  }
0x38: {  	s10 =	sld [smem:$0x3FB7]  }
0x39: {  	_ = 	snop;
	(pc) =	sbr.ind lr, $3  }
0x3a: {  	_ = 	snop  }
0x3b: {  	_ = 	snop  }
0x3c: {  	p2 =	seq.s32 s10, $0x1;
	s10 =	sld [smem:$0x3FB6]  }
0x3d: {  	_ =	shalt  }
0x3e: {  	_ =	shalt  }
0x3f: {  	_ =	shalt  }
0x40: {  	_ =	shalt  }
0x41: {  	_ =	shalt  }
0x42: {  	_ =	shalt  }
0x43: {  	_ =	shalt  }
0x44: {  	_ =	shalt  }
0x45: {  	_ =	shalt  }
0x46: {  	_ =	shalt  }
0x47: {  	_ =	shalt  }
0x48: {  	_ =	shalt  }
0x49: {  	_ =	shalt  }
0x4a: {  	_ =	shalt  }
0x4b: {  	_ =	shalt  }
0x4c: {  	_ =	shalt  }
0x4d: {  	_ =	shalt  }
0x4e: {  	_ =	shalt  }
0x4f: {  	_ =	shalt  }
0x50: {  	_ =	shalt  }
0x51: {  	_ =	shalt  }
0x52: {  	_ =	shalt  }
0x53: {  	_ =	shalt  }
0x54: {  	_ =	shalt  }
0x55: {  	_ =	shalt  }
0x56: {  	_ =	shalt  }
0x57: {  	_ =	shalt  }
0x58: {  	_ =	shalt  }
0x59: {  	_ =	shalt  }
0x5a: {  	_ =	shalt  }
0x5b: {  	_ =	shalt  }
0x5c: {  	_ =	shalt  }
0x5d: {  	_ =	shalt  }
0x5e: {  	_ =	shalt  }
0x5f: {  	_ =	shalt  }
0x60: {  	_ =	shalt  }
0x61: {  	_ =	shalt  }
0x62: {  	_ =	shalt  }
0x63: {  	_ =	shalt  }
0x64: {  	_ =	shalt  }
0x65: {  	_ =	shalt  }
0x66: {  	_ =	shalt  }
0x67: {  	_ =	shalt  }
0x68: {  	_ =	shalt  }
0x69: {  	_ =	shalt  }
0x6a: {  	_ =	shalt  }
0x6b: {  	_ =	shalt  }
0x6c: {  	_ =	shalt  }
0x6d: {  	_ =	shalt  }
0x6e: {  	_ =	shalt  }
0x6f: {  	_ =	shalt  }
0x70: {  	_ =	shalt  }
0x71: {  	_ =	shalt  }
0x72: {  	_ =	shalt  }
0x73: {  	_ =	shalt  }
0x74: {  	_ =	shalt  }
0x75: {  	_ =	shalt  }
0x76: {  	_ =	shalt  }
0x77: {  	_ =	shalt  }
0x78: {  	_ =	shalt  }
0x79: {  	_ =	shalt  }
0x7a: {  	_ =	shalt  }
0x7b: {  	_ =	shalt  }
0x7c: {  	_ =	shalt  }
0x7d: {  	_ =	shalt  }
0x7e: {  	_ =	shalt  }
0x7f: {  	_ =	shalt  }
0x80: {  	_ =	shalt  }
0x81: {  	_ =	shalt  }
0x82: {  	_ =	shalt  }
0x83: {  	_ =	shalt  }
0x84: {  	_ =	shalt  }
0x85: {  	_ =	shalt  }
0x86: {  	_ =	shalt  }
0x87: {  	_ =	shalt  }
.Lfunc_end0:
.L_simem_size_0:
called_computation.1_lowered:
.L_overlay_start_0:
0x88: {  	s2 =	sld [smem:$0x3FD9]  }
0x89: {  	s3 =	sld [smem:$0x3FFE];
	_ =	sdelay $0x1  }
0x8a: {  	s1 =	srdreg.scid  }
0x8b: {  	s0 =	sand.u32 $0x1, s1  }
0x8c: {  	s17 =	sshll.u32 s0, $0xA;
	s2 =	sadd.s32 s3, s2  }
0x8d: {  	s2 =	sadd.s32 s2, s17  }
0x8e: {  	[smem:$0x3FC2] =	sst s2  }
0x8f: {  	_ = 	snop  }
0x90: {  	s2 =	sld [smem:$0x3FD0];
	(tm) =	ssettm $0x1  }
0x91: {  	s18 =	sld [smem:$0x3FFB];
	_ =	sdelay $0x3  }
0x92: {  	_ =	strace s18  }
0x93: {  	s3 =	sld [smem:$0x3FFC];
	_ =	sdelay $0x3  }
0x94: {  	_ =	strace s3  }
0x95: {  	s3 =	sld [smem:$0x3FFD];
	_ =	sdelay $0x3  }
0x96: {  	_ =	strace s3  }
0x97: {  	_ =	strace $0x8FFFFFFF  }
0x98: {  	s19 =	sld [smem:$0x3FDB];
	_ =	sdelay $0x1  }
0x99: {  	s4 =	simm.s32 $_scs_section_size  }
0x9a: {  	s5 =	simm.s32 $_size__tile_overlayer_lowered;
	s6 =	simm.s32 $_tile_overlayer_lowered  }
0x9b: {  	s22 =	simm.s32 $0x1BFF;
	s21 =	sshll.u32 s6, $0x1;
	s3 =	sadd.s32 s4, s19  }
0x9c: {  	s7 =	simm.s32 $0x0;
	s20 =	sshll.u32 s5, $0x1;
	s5 =	sadd.s32 s21, s3  }
0x9d: {  	[timem:s7], [sflag:s22] =	dma.local [hbm:s5], s20  }
0x9e: {  	_ =	swait.ge [sflag:s22], s20  }
0x9f: {  	s4 =	ssub.s32 $0x0, s20;
	[sflag:s22] =	ssyncset.done $0x0  }
0xa0: {  	[sflag:s22] =	ssyncadd.s32 s4;
	_ =	sdelay $0x1  }
0xa1: {  	s23 =	simm.s32 $0x1B8B  }
0xa2: {  	_ =	swait.ge [sflag:s23], $0x1  }
0xa3: {  	[sflag:s23] =	ssyncset.done $0x0  }
0xa4: {  	s25 =	simm.s32 $0x1B8E;
	s24 =	sld [smem:$0x3FFE];
	[sflag:s23] =	ssyncadd.s32 $0xFFFFFFFF  }
0xa5: {  	s26 =	simm.s32 $execute0_lowered;
	[smem:$0x3FD2] =	sst s25  }
0xa6: {  	s5 =	sshll.u32 s26, $0x1;
	_ =	strace $0x80000049;
	[dreg:$0x1] =	wrdreg $0xFFFFFFFF  }
0xa7: {  	s28 =	simm.s32 $_size_execute0_lowered;
	s3 =	sadd.s32 s3, s5;
	[dreg:$0x0] =	wrdreg $0x0  }
0xa8: {  	s5 =	sshll.u32 s28, $0x1;
	[dreg:$0x2] =	wrdreg s3  }
0xa9: {  	[dreg:$0x3] =	wrdreg s5  }
0xaa: {  	[dreg:$0x4] =	wrdreg $0xC0  }
0xab: {  	_ =	task [dreg:s7], $0x5FFFF  }
0xac: {  	[dreg:$0x1] =	wrdreg $0xFFFFFFFF  }
0xad: {  	[dreg:$0x0] =	wrdreg $0x60  }
0xae: {  	[dreg:$0x2] =	wrdreg s24  }
0xaf: {  	[dreg:$0x3] =	wrdreg s2  }
0xb0: {  	[dreg:$0x4] =	wrdreg $0x90000  }
0xb1: {  	[dreg:$0x5] =	wrdreg $0x9  }
0xb2: {  	_ =	task.clear_ibuf [dreg:s7], $0x6FFFF;
	_ =	strace $0x90000049  }
0xb3: {  	s29 =	simm.s32 $0x9;
	_ =	strace $0x8000004B  }
0xb4: {  	_ =	swait.ge [sflag:s29], $0x1  }
0xb5: {  	[sflag:s29] =	ssyncadd.s32 $0xFFFFFFFF  }
0xb6: {  	_ =	strace $0x9000004B  }
0xb7: {  	_ =	sfence  }
0xb8: {  	s30 =	sld [smem:$0x0];
	_ =	sdelay $0x2  }
0xb9: {  	s31 =	sshll.u32 s1, $0xD;
	s1 =	sshrl.u32 s1, $0x2  }
0xba: {  	s3 =	sand.u32 $0x4000, s31;
	s1 =	sadd.s32 s1, s30  }
0xbb: {  	s0 =	sor.u32 s3, s0;
	s1 =	sshll.u32 s1, $0x11  }
0xbc: {  	s0 =	sor.u32 s1, s0  }
0xbd: {  	s0 =	sadd.s32 $0x8F2B, s0  }
0xbe: {  	[sflag:s0] =	ssyncadd.remote.s32 $0x1  }
0xbf: {  	_ =	sfence.sel $0xFFFF  }
0xc0: {  	[dreg:$0x0] =	wrdreg $0xFFFFFFFF;
	(pc) =	sbr.abs _section_cstart, $3  }
0xc1: {  	[dreg:$0x1] =	wrdreg $0xFFFFFFFF  }
0xc2: {  	_ =	task.clear_ibuf [dreg:s7], $0x2FFFF;
	_ =	strace $0x9FFFFFFF  }
0xc3: {  	(tm) =	ssettm $0x7FFFFFFF  }
tec
execute0_lowered:
.L_overlay_start_1:
0x0: {  	(tag) =	ssettag $0x1  }
0x1: {  	s5 =	rddreg [dreg:$0x0]  }
0x2: {  	s0 =	srdreg.scid;
	s7 =	rddreg [dreg:$0x1]  }
0x3: {  	s2 =	rddreg [dreg:$0x2];
	s3 =	simm.s32 $0x0;
	s15 =	simm.s32 $0x5000  }
0x4: {  	s16 =	simm.s32 $0x1;
	s6 =	sand.u32 $0x1, s0;
	s0 =	stileid.u32  }
0x5: {  	s17 =	simm.s32 $0x0;
	[smem:$0x7FF] =	sst s3;
	s9 =	smul.u32 $0x2800, s0  }
0x6: {  	s1 =	sshll.u32 s6, $0x4;
	s10 =	smul.u32 $0x28000, s6;
	s6 =	ssub.s32 $0x2, s6  }
0x7: {  	s11 =	smul.u32 $0x50000, s0;
	s31 =	sshll.u32 s0, $0x6;
	s4 =	sor.u32 s0, s1  }
0x8: {  	s1 =	rddreg [dreg:$0x3];
	_ =	strace $0x8000004A;
	s13 =	sshrl.u32 s6, $0x1  }
0x9: {  	s8 =	smul.u32 $0x500, s4;
	s4 =	sadd.s32 $0xCC00, s5;
	s10 =	sadd.s32 s9, s10  }
0xa: {  	s13 =	ssub.s32 s6, s13;
	s11 =	sshrl.u32 s11, $0x2;
	s10 =	sadd.s32 s10, s5  }
0xb: {  	s14 =	sadd.s32 s11, s2;
	s11 =	simm.s32 $0x2800;
	s12 =	sadd.s32 s8, s5  }
0xc: {  	s6 =	sadd.s32 s7, s8;
	s7 =	sadd.s32 s4, s9;
	s8 =	sadd.s32 $0x34C00, s10  }
0xd: {  	s9 =	smax.u32 s13, $0x1;
	s10 =	simm.s32 $0x2;
	s13 =	sshrl.u32 s14, $0x3  }
0xe: {  	s14 =	simm.s32 $0x80;
	s5 =	sadd.s32 $0x2C00, s12;
	s12 =	sor.u32 $0x1C02, s31  }
.LBB2_1:
0xf: {  	[tilespmem:s3], [sflag:$0x2] =	stream.linear.gather [hbm4b:s5+s3], $0x2800, $0x38;
	[tilespmem:$0x1D000] =	vst v63  }
0x10: {  	_ =	swait.ge [sflag:s10], $0x2800  }
0x11: {  	[sflag:s10] =	ssyncset.done $0x0  }
0x12: {  	[sflag:s10] =	ssyncadd.s32 $0xFFFFD800  }
0x13: {  	[tilespmem:s11], [sflag:$0x2] =	stream.linear.gather [hbm4b:s6+s3], $0x2800, $0x38;
	[tilespmem:$0x1D000] =	vst v63  }
0x14: {  	_ =	swait.ge [sflag:s10], $0x2800  }
0x15: {  	[sflag:s10] =	ssyncset.done $0x0  }
0x16: {  	[sflag:s10] =	ssyncadd.s32 $0xFFFFD800  }
0x17: {  	[spmem:s13], [sflag:s12] =	dma.local [hbm:s7], $0x2800  }
0x18: {  	_ =	swait.ge [sflag:s10], $0x2800  }
0x19: {  	[sflag:s10] =	ssyncset.done $0x0  }
0x1a: {  	[sflag:s10] =	ssyncadd.s32 $0xFFFFD800  }
0x1b: {  	s18 =	simm.s32 $0x0;
	[bflag:$0x0] =	sbarrier.arrive $0xFFFF  }
0x1c: {  	[tilespmem:s15], [sflag:$0x1] =	stream.indirect.gather [hbm4b:s4+s14], $0x80, s18, s14, $0xb8;
	[tilespmem:$0x1D000] =	vst v63  }
0x1d: {  	_ =	swait.ge [sflag:s16], $0x4000  }
0x1e: {  	[sflag:s16] =	ssyncset.done $0x0  }
0x1f: {  	s31 =	simm.s32 $0x2800;
	[sflag:s16] =	ssyncadd.s32 $0xFFFFC000  }
0x20: {  	[spmem:s2] =	stream.indirect.scatter.add.f32 [tilespmem:s15], [sflag:$0x2], $0x80, s31, s14, $0xb8;
	[tilespmem:$0x1D000] =	vst v63  }
0x21: {  	_ =	swait.ge [sflag:s10], $0x4000  }
0x22: {  	s19 =	simm.s32 $0x400;
	s18 =	simm.s32 $0x200;
	[sflag:s10] =	ssyncset.done $0x0  }
.LBB2_2:
0x23: {  	s20 =	sshra.s32 s18, $0x2  }
0x24: {  	[sflag:s10] =	ssyncadd.s32 $0xFFFFC000;
	s18 =	smov.u32 s19;
	s21 =	sadd.s32 $0x200, s19  }
0x25: {  	[tilespmem:s15], [sflag:$0x1] =	stream.indirect.gather [hbm4b:s4+s14], $0x80, s20, s14, $0xb8;
	[tilespmem:$0x1D000] =	vst v63  }
0x26: {  	p0 =	sne.s32 s19, $0x9E00;
	_ =	swait.ge [sflag:s16], $0x4000  }
.Ltmp0:
0x27: {  	[sflag:s16] =	ssyncset.done $0x0;
	(pc) =	sbr.rel @p0 .LBB2_2-.Ltmp0, $4  }
0x28: {  	s19 =	sadd.s32 $0x2800, s20;
	[sflag:s16] =	ssyncadd.s32 $0xFFFFC000  }
0x29: {  	[spmem:s2] =	stream.indirect.scatter.add.f32 [tilespmem:s15], [sflag:$0x2], $0x80, s19, s14, $0xb8;
	[tilespmem:$0x1D000] =	vst v63  }
0x2a: {  	_ =	swait.ge [sflag:s10], $0x4000  }
0x2b: {  	s19 =	smov.u32 s21;
	[sflag:s10] =	ssyncset.done $0x0  }
0x2c: {  	s18 =	sshra.s32 s18, $0x2;
	[sflag:s10] =	ssyncadd.s32 $0xFFFFC000  }
0x2d: {  	[tilespmem:s15], [sflag:$0x1] =	stream.indirect.gather [hbm4b:s4+s14], $0x80, s18, s14, $0xb8;
	[tilespmem:$0x1D000] =	vst v63  }
0x2e: {  	_ =	swait.ge [sflag:s16], $0x4000  }
0x2f: {  	[sflag:s16] =	ssyncset.done $0x0  }
0x30: {  	s18 =	sadd.s32 $0x2800, s18;
	[sflag:s16] =	ssyncadd.s32 $0xFFFFC000  }
0x31: {  	[spmem:s2] =	stream.indirect.scatter.add.f32 [tilespmem:s15], [sflag:$0x2], $0x80, s18, s14, $0xb8;
	[tilespmem:$0x1D000] =	vst v63  }
0x32: {  	_ =	swait.ge [sflag:s10], $0x4000  }
0x33: {  	s17 =	sadd.s32 $0x1, s17;
	[sflag:s10] =	ssyncset.done $0x0  }
0x34: {  	p0 =	sne.s32 s17, s9;
	[sflag:s10] =	ssyncadd.s32 $0xFFFFC000  }
.Ltmp1:
0x35: {  	[bflag:$0x0] =	sbarrier.arrive $0xFFFF;
	(pc) =	sbr.rel @p0 .LBB2_1-.Ltmp1, $4  }
0x36: {  	[hbm:s8], [sflag:s12] =	dma.local [spmem:s13], $0x2800  }
0x37: {  	_ =	swait.ge [sflag:s10], $0x2800  }
0x38: {  	[sflag:s10] =	ssyncset.done $0x0  }
0x39: {  	[sflag:s10] =	ssyncadd.s32 $0xFFFFD800  }
0x3a: {  	_ =	sfence.sel $0x180000  }
0x3b: {  	[bflag:$0x0] =	sbarrier.arrive $0xFFFF  }
0x3c: {  	p0 =	sne.s32 s0, $0x0;
	_ =	strace $0x9000004A  }
0x3d: {  	s0 =	sadd.s32 @!p0 $0x100000, s1;
	[bflag:$0x2] =	sbarrier.arrive $0xFFFF  }
0x3e: {  	[sflag:s0] =	ssyncadd.tile.s32 @!p0 $0x1;
	_ =	shalt  }
.Lfunc_end2:
_tile_overlayer_lowered:
.L_overlay_start_2:
0x3f: {  	(tag) =	ssettag $0x2  }
0x40: {  	s0 =	rddreg [dreg:$0x0];
	s2 =	stileid.u32  }
0x41: {  	s1 =	rddreg [dreg:$0x1];
	p0 =	sne.s32 s2, $0x0  }
0x42: {  	s3 =	rddreg [dreg:$0x2];
	[bflag:$0x3] =	sbarrier.arrive $0xFFFF;
	s2 =	simm.s32 @!p0 $0x1C02  }
0x43: {  	[timem:s3], [sflag:s2] =	dma.local @!p0 [hbm:s0], s1  }
0x44: {  	s0 =	simm.s32 @!p0 $0x2  }
0x45: {  	_ =	swait.ge @!p0 [sflag:s0], s1  }
0x46: {  	s1 =	ssub.s32 @!p0 $0x0, s1;
	[sflag:s0] =	ssyncset.done @!p0 $0x0  }
0x47: {  	[sflag:s0] =	ssyncadd.s32 @!p0 s1  }
0x48: {  	[bflag:$0x3] =	sbarrier.arrive $0xFFFF  }
0x49: {  	_ =	shalt  }

// kernel: kernel.14.cloned.1.call-start
scs
__scs_entry_jumppad:
0x0: {  	(pc) =	sbr.rel $0x88, $3  }
0x1: {  	(tag) =	ssettag $0x0;
	lr =	simm.s32 $0x1  }
0x2: {  	[smem:$0x3F9B] =	sst lr;
	_ =	strace $0xD0000000  }
0x3: {  	_ = 	snop  }
0x4: {  	_ = 	snop  }
0x5: {  	_ = 	snop  }
0x6: {  	_ = 	snop  }
0x7: {  	_ = 	snop  }
__scs_overlays_trampoline_lowered:
0x8: {  	[smem:$0x3FAA] =	sst s0  }
0x9: {  	[smem:$0x3FAB] =	sst s1  }
0xa: {  	[smem:$0x3FAC] =	sst s2  }
0xb: {  	[smem:$0x3FAD] =	sst s3  }
0xc: {  	[smem:$0x3FAE] =	sst s4  }
0xd: {  	[smem:$0x3FAF] =	sst s5  }
0xe: {  	[smem:$0x3FB0] =	sst s6  }
0xf: {  	[smem:$0x3FB1] =	sst s7  }
0x10: {  	[smem:$0x3FB2] =	sst s8  }
0x11: {  	[smem:$0x3FB3] =	sst s9;
	s0 =	simm.s32 @!p0 $0x0  }
0x12: {  	s1 =	sld [smem:$0x3F99];
	s0 =	simm.s32 @p0 $0x1  }
0x13: {  	[smem:$0x3FB4] =	sst s0;
	s0 =	simm.s32 @!p1 $0x0  }
0x14: {  	s2 =	sld [smem:$0x3F98];
	s0 =	simm.s32 @p1 $0x1  }
0x15: {  	[smem:$0x3FB5] =	sst s0;
	s0 =	simm.s32 @!p2 $0x0  }
0x16: {  	s3 =	sld [smem:$0x3FDB];
	s0 =	simm.s32 @p2 $0x1  }
0x17: {  	s4 =	simm.s32 $0x1BF5;
	[smem:$0x3FB7] =	sst s0  }
0x18: {  	s0 =	sld [smem:$0x3F9A];
	_ =	swait.ge [sflag:s4], $0x0  }
0x19: {  	s7 =	sld [smem:$0x3F9B]  }
0x1a: {  	s8 =	sadd.s32 $0xFFFFE003, lr  }
0x1b: {  	s9 =	sadd.s32 $0xFFFFFEF7, lr;
	s5 =	simm.s32 $0xFFFFFFFF;
	p2 =	slt.u32 s8, $0xFFFFF086  }
0x1c: {  	p1 =	slt.u32 s9, $0xF7A;
	s5 =	simm.s32 @!p2 $0x0  }
0x1d: {  	s5 =	simm.s32 @p1 $0x1;
	p0 =	seq.s32 s7, s2  }
0x1e: {  	s7 =	smul.u32 @!p0 $0xF7A, s2;
	p2 =	seq.s32 @!p0 s5, $0x0  }
0x1f: {  	s9 =	smul.u32 $0xF7A, s1;
	s8 =	simm.s32 @!p0 $0x1BF5;
	p2 =	por !p2, p0  }
0x20: {  	[sflag:s8] =	ssyncset.s32 @!p0 $0xFFFFF086;
	s6 =	sadd.s32 @!p0 s3, s7;
	s7 =	simm.s32 @!p0 $0x108  }
0x21: {  	s3 =	sadd.s32 s3, s9;
	s6 =	sadd.s32 @!p0 $0x88, s6;
	s7 =	simm.s32 @p2 $0x1082  }
0x22: {  	[simem:s7], [sflag:s8] =	dma.local @!p0 [hbm:s6], $0xF7A  }
0x23: {  	s9 =	sor.u32 $0xD0000000, s2;
	s6 =	simm.s32 $0x108;
	_ =	swait.ge @!p0 [sflag:s8], $0x0  }
0x24: {  	s3 =	sadd.s32 $0x88, s3;
	s6 =	simm.s32 @!p1 $0x1082;
	[sflag:s4] =	ssyncset.s32 $0xFFFFF086  }
0x25: {  	[simem:s6], [sflag:s4] =	dma.local [hbm:s3], $0xF7A  }
0x26: {  	[smem:$0x3F9B] =	sst s1;
	(tag) =	ssettag s2;
	_ =	strace s9  }
0x27: {  	s1 =	sld [smem:$0x3FAB]  }
0x28: {  	s2 =	sld [smem:$0x3FAC]  }
0x29: {  	s4 =	sld [smem:$0x3FAE]  }
0x2a: {  	p0 =	seq.s32 s5, $0x0;
	s5 =	sld [smem:$0x3FAF]  }
0x2b: {  	s6 =	sld [smem:$0x3FB0]  }
0x2c: {  	s7 =	sld [smem:$0x3FB1]  }
0x2d: {  	s3 =	simm.s32 $0x108;
	s8 =	sld [smem:$0x3FB2]  }
0x2e: {  	s3 =	simm.s32 @!p0 $0x1082;
	s9 =	sld [smem:$0x3FB3]  }
0x2f: {  	lr =	sadd.s32 s0, s3;
	s0 =	sld [smem:$0x3FAA]  }
0x30: {  	s3 =	sld [smem:$0x3FAD]  }
0x31: {  	[smem:$0x3FB6] =	sst s10  }
0x32: {  	s10 =	sld [smem:$0x3FB4];
	_ =	sdelay $0x3  }
0x33: {  	p0 =	seq.s32 s10, $0x1;
	s10 =	sld [smem:$0x3FB6];
	_ =	sdelay $0x3  }
0x34: {  	[smem:$0x3FB6] =	sst s10  }
0x35: {  	s10 =	sld [smem:$0x3FB5];
	_ =	sdelay $0x3  }
0x36: {  	p1 =	seq.s32 s10, $0x1;
	s10 =	sld [smem:$0x3FB6];
	_ =	sdelay $0x3  }
0x37: {  	[smem:$0x3FB6] =	sst s10  }
0x38: {  	s10 =	sld [smem:$0x3FB7]  }
0x39: {  	_ = 	snop;
	(pc) =	sbr.ind lr, $3  }
0x3a: {  	_ = 	snop  }
0x3b: {  	_ = 	snop  }
0x3c: {  	p2 =	seq.s32 s10, $0x1;
	s10 =	sld [smem:$0x3FB6]  }
0x3d: {  	_ =	shalt  }
0x3e: {  	_ =	shalt  }
0x3f: {  	_ =	shalt  }
0x40: {  	_ =	shalt  }
0x41: {  	_ =	shalt  }
0x42: {  	_ =	shalt  }
0x43: {  	_ =	shalt  }
0x44: {  	_ =	shalt  }
0x45: {  	_ =	shalt  }
0x46: {  	_ =	shalt  }
0x47: {  	_ =	shalt  }
0x48: {  	_ =	shalt  }
0x49: {  	_ =	shalt  }
0x4a: {  	_ =	shalt  }
0x4b: {  	_ =	shalt  }
0x4c: {  	_ =	shalt  }
0x4d: {  	_ =	shalt  }
0x4e: {  	_ =	shalt  }
0x4f: {  	_ =	shalt  }
0x50: {  	_ =	shalt  }
0x51: {  	_ =	shalt  }
0x52: {  	_ =	shalt  }
0x53: {  	_ =	shalt  }
0x54: {  	_ =	shalt  }
0x55: {  	_ =	shalt  }
0x56: {  	_ =	shalt  }
0x57: {  	_ =	shalt  }
0x58: {  	_ =	shalt  }
0x59: {  	_ =	shalt  }
0x5a: {  	_ =	shalt  }
0x5b: {  	_ =	shalt  }
0x5c: {  	_ =	shalt  }
0x5d: {  	_ =	shalt  }
0x5e: {  	_ =	shalt  }
0x5f: {  	_ =	shalt  }
0x60: {  	_ =	shalt  }
0x61: {  	_ =	shalt  }
0x62: {  	_ =	shalt  }
0x63: {  	_ =	shalt  }
0x64: {  	_ =	shalt  }
0x65: {  	_ =	shalt  }
0x66: {  	_ =	shalt  }
0x67: {  	_ =	shalt  }
0x68: {  	_ =	shalt  }
0x69: {  	_ =	shalt  }
0x6a: {  	_ =	shalt  }
0x6b: {  	_ =	shalt  }
0x6c: {  	_ =	shalt  }
0x6d: {  	_ =	shalt  }
0x6e: {  	_ =	shalt  }
0x6f: {  	_ =	shalt  }
0x70: {  	_ =	shalt  }
0x71: {  	_ =	shalt  }
0x72: {  	_ =	shalt  }
0x73: {  	_ =	shalt  }
0x74: {  	_ =	shalt  }
0x75: {  	_ =	shalt  }
0x76: {  	_ =	shalt  }
0x77: {  	_ =	shalt  }
0x78: {  	_ =	shalt  }
0x79: {  	_ =	shalt  }
0x7a: {  	_ =	shalt  }
0x7b: {  	_ =	shalt  }
0x7c: {  	_ =	shalt  }
0x7d: {  	_ =	shalt  }
0x7e: {  	_ =	shalt  }
0x7f: {  	_ =	shalt  }
0x80: {  	_ =	shalt  }
0x81: {  	_ =	shalt  }
0x82: {  	_ =	shalt  }
0x83: {  	_ =	shalt  }
0x84: {  	_ =	shalt  }
0x85: {  	_ =	shalt  }
0x86: {  	_ =	shalt  }
0x87: {  	_ =	shalt  }
.Lfunc_end0:
.L_simem_size_0:
called_computation.2_lowered:
.L_overlay_start_0:
0x88: {  	s2 =	sld [smem:$0x3FD9]  }
0x89: {  	s3 =	sld [smem:$0x3FFE];
	_ =	sdelay $0x1  }
0x8a: {  	s1 =	srdreg.scid  }
0x8b: {  	s0 =	sand.u32 $0x1, s1  }
0x8c: {  	s17 =	sshll.u32 s0, $0xA;
	s2 =	sadd.s32 s3, s2  }
0x8d: {  	s2 =	sadd.s32 s2, s17  }
0x8e: {  	[smem:$0x3FC2] =	sst s2  }
0x8f: {  	_ = 	snop  }
0x90: {  	s2 =	sld [smem:$0x3FD0];
	(tm) =	ssettm $0x1  }
0x91: {  	s18 =	sld [smem:$0x3FFB];
	_ =	sdelay $0x3  }
0x92: {  	_ =	strace s18  }
0x93: {  	s3 =	sld [smem:$0x3FFC];
	_ =	sdelay $0x3  }
0x94: {  	_ =	strace s3  }
0x95: {  	s3 =	sld [smem:$0x3FFD];
	_ =	sdelay $0x3  }
0x96: {  	_ =	strace s3  }
0x97: {  	_ =	strace $0x8FFFFFFF  }
0x98: {  	s19 =	sld [smem:$0x3FDB];
	_ =	sdelay $0x1  }
0x99: {  	s4 =	simm.s32 $_scs_section_size  }
0x9a: {  	s5 =	simm.s32 $_size__tile_overlayer_lowered;
	s6 =	simm.s32 $_tile_overlayer_lowered  }
0x9b: {  	s22 =	simm.s32 $0x1BFF;
	s21 =	sshll.u32 s6, $0x1;
	s3 =	sadd.s32 s4, s19  }
0x9c: {  	s7 =	simm.s32 $0x0;
	s20 =	sshll.u32 s5, $0x1;
	s5 =	sadd.s32 s21, s3  }
0x9d: {  	[timem:s7], [sflag:s22] =	dma.local [hbm:s5], s20  }
0x9e: {  	_ =	swait.ge [sflag:s22], s20  }
0x9f: {  	s4 =	ssub.s32 $0x0, s20;
	[sflag:s22] =	ssyncset.done $0x0  }
0xa0: {  	[sflag:s22] =	ssyncadd.s32 s4;
	_ =	sdelay $0x1  }
0xa1: {  	s23 =	simm.s32 $0x1B8B  }
0xa2: {  	_ =	swait.ge [sflag:s23], $0x1  }
0xa3: {  	[sflag:s23] =	ssyncset.done $0x0  }
0xa4: {  	s25 =	simm.s32 $0x1B8E;
	s24 =	sld [smem:$0x3FFE];
	[sflag:s23] =	ssyncadd.s32 $0xFFFFFFFF  }
0xa5: {  	s26 =	simm.s32 $execute0_lowered;
	[smem:$0x3FD2] =	sst s25  }
0xa6: {  	s5 =	sshll.u32 s26, $0x1;
	_ =	strace $0x8000004C;
	[dreg:$0x1] =	wrdreg $0xFFFFFFFF  }
0xa7: {  	s28 =	simm.s32 $_size_execute0_lowered;
	s3 =	sadd.s32 s3, s5;
	[dreg:$0x0] =	wrdreg $0x0  }
0xa8: {  	s5 =	sshll.u32 s28, $0x1;
	[dreg:$0x2] =	wrdreg s3  }
0xa9: {  	[dreg:$0x3] =	wrdreg s5  }
0xaa: {  	[dreg:$0x4] =	wrdreg $0xC0  }
0xab: {  	_ =	task [dreg:s7], $0x5FFFF  }
0xac: {  	[dreg:$0x1] =	wrdreg $0xFFFFFFFF  }
0xad: {  	[dreg:$0x0] =	wrdreg $0x60  }
0xae: {  	[dreg:$0x2] =	wrdreg s24  }
0xaf: {  	[dreg:$0x3] =	wrdreg s2  }
0xb0: {  	[dreg:$0x4] =	wrdreg $0x90000  }
0xb1: {  	[dreg:$0x5] =	wrdreg $0x9  }
0xb2: {  	_ =	task.clear_ibuf [dreg:s7], $0x6FFFF;
	_ =	strace $0x9000004C  }
0xb3: {  	s29 =	simm.s32 $0x9;
	_ =	strace $0x8000004E  }
0xb4: {  	_ =	swait.ge [sflag:s29], $0x1  }
0xb5: {  	[sflag:s29] =	ssyncadd.s32 $0xFFFFFFFF  }
0xb6: {  	_ =	strace $0x9000004E  }
0xb7: {  	_ =	sfence  }
0xb8: {  	s30 =	sld [smem:$0x0];
	_ =	sdelay $0x2  }
0xb9: {  	s31 =	sshll.u32 s1, $0xD;
	s1 =	sshrl.u32 s1, $0x2  }
0xba: {  	s3 =	sand.u32 $0x4000, s31;
	s1 =	sadd.s32 s1, s30  }
0xbb: {  	s0 =	sor.u32 s3, s0;
	s1 =	sshll.u32 s1, $0x11  }
0xbc: {  	s0 =	sor.u32 s1, s0  }
0xbd: {  	s0 =	sadd.s32 $0x8F2B, s0  }
0xbe: {  	[sflag:s0] =	ssyncadd.remote.s32 $0x1  }
0xbf: {  	_ =	sfence.sel $0xFFFF  }
0xc0: {  	[dreg:$0x0] =	wrdreg $0xFFFFFFFF;
	(pc) =	sbr.abs _section_cstart, $3  }
0xc1: {  	[dreg:$0x1] =	wrdreg $0xFFFFFFFF  }
0xc2: {  	_ =	task.clear_ibuf [dreg:s7], $0x2FFFF;
	_ =	strace $0x9FFFFFFF  }
0xc3: {  	(tm) =	ssettm $0x7FFFFFFF  }
tec
execute0_lowered:
.L_overlay_start_1:
0x0: {  	(tag) =	ssettag $0x1  }
0x1: {  	s5 =	rddreg [dreg:$0x0]  }
0x2: {  	s0 =	srdreg.scid;
	s7 =	rddreg [dreg:$0x1]  }
0x3: {  	s2 =	rddreg [dreg:$0x2];
	s3 =	simm.s32 $0x0;
	s15 =	simm.s32 $0x5000  }
0x4: {  	s16 =	simm.s32 $0x1;
	s6 =	sand.u32 $0x1, s0;
	s0 =	stileid.u32  }
0x5: {  	s17 =	simm.s32 $0x0;
	[smem:$0x7FF] =	sst s3;
	s9 =	smul.u32 $0x2800, s0  }
0x6: {  	s1 =	sshll.u32 s6, $0x4;
	s10 =	smul.u32 $0x28000, s6;
	s6 =	ssub.s32 $0x2, s6  }
0x7: {  	s11 =	smul.u32 $0x50000, s0;
	s31 =	sshll.u32 s0, $0x6;
	s4 =	sor.u32 s0, s1  }
0x8: {  	s1 =	rddreg [dreg:$0x3];
	_ =	strace $0x8000004D;
	s13 =	sshrl.u32 s6, $0x1  }
0x9: {  	s8 =	smul.u32 $0x500, s4;
	s4 =	sadd.s32 $0xCC00, s5;
	s10 =	sadd.s32 s9, s10  }
0xa: {  	s13 =	ssub.s32 s6, s13;
	s11 =	sshrl.u32 s11, $0x2;
	s10 =	sadd.s32 s10, s5  }
0xb: {  	s14 =	sadd.s32 s11, s2;
	s11 =	simm.s32 $0x2800;
	s12 =	sadd.s32 s8, s5  }
0xc: {  	s6 =	sadd.s32 s7, s8;
	s7 =	sadd.s32 s4, s9;
	s8 =	sadd.s32 $0x34C00, s10  }
0xd: {  	s9 =	smax.u32 s13, $0x1;
	s10 =	simm.s32 $0x2;
	s13 =	sshrl.u32 s14, $0x3  }
0xe: {  	s14 =	simm.s32 $0x80;
	s5 =	sadd.s32 $0x2C00, s12;
	s12 =	sor.u32 $0x1C02, s31  }
.LBB2_1:
0xf: {  	[tilespmem:s3], [sflag:$0x2] =	stream.linear.gather [hbm4b:s5+s3], $0x2800, $0x38;
	[tilespmem:$0x1D000] =	vst v63  }
0x10: {  	_ =	swait.ge [sflag:s10], $0x2800  }
0x11: {  	[sflag:s10] =	ssyncset.done $0x0  }
0x12: {  	[sflag:s10] =	ssyncadd.s32 $0xFFFFD800  }
0x13: {  	[tilespmem:s11], [sflag:$0x2] =	stream.linear.gather [hbm4b:s6+s3], $0x2800, $0x38;
	[tilespmem:$0x1D000] =	vst v63  }
0x14: {  	_ =	swait.ge [sflag:s10], $0x2800  }
0x15: {  	[sflag:s10] =	ssyncset.done $0x0  }
0x16: {  	[sflag:s10] =	ssyncadd.s32 $0xFFFFD800  }
0x17: {  	[spmem:s13], [sflag:s12] =	dma.local [hbm:s7], $0x2800  }
0x18: {  	_ =	swait.ge [sflag:s10], $0x2800  }
0x19: {  	[sflag:s10] =	ssyncset.done $0x0  }
0x1a: {  	[sflag:s10] =	ssyncadd.s32 $0xFFFFD800  }
0x1b: {  	s18 =	simm.s32 $0x0;
	[bflag:$0x0] =	sbarrier.arrive $0xFFFF  }
0x1c: {  	[tilespmem:s15], [sflag:$0x1] =	stream.indirect.gather [hbm4b:s4+s14], $0x80, s18, s14, $0xb8;
	[tilespmem:$0x1D000] =	vst v63  }
0x1d: {  	_ =	swait.ge [sflag:s16], $0x4000  }
0x1e: {  	[sflag:s16] =	ssyncset.done $0x0  }
0x1f: {  	s31 =	simm.s32 $0x2800;
	[sflag:s16] =	ssyncadd.s32 $0xFFFFC000  }
0x20: {  	[spmem:s2] =	stream.indirect.scatter.add.f32 [tilespmem:s15], [sflag:$0x2], $0x80, s31, s14, $0xb8;
	[tilespmem:$0x1D000] =	vst v63  }
0x21: {  	_ =	swait.ge [sflag:s10], $0x4000  }
0x22: {  	s19 =	simm.s32 $0x400;
	s18 =	simm.s32 $0x200;
	[sflag:s10] =	ssyncset.done $0x0  }
.LBB2_2:
0x23: {  	s20 =	sshra.s32 s18, $0x2  }
0x24: {  	[sflag:s10] =	ssyncadd.s32 $0xFFFFC000;
	s18 =	smov.u32 s19;
	s21 =	sadd.s32 $0x200, s19  }
0x25: {  	[tilespmem:s15], [sflag:$0x1] =	stream.indirect.gather [hbm4b:s4+s14], $0x80, s20, s14, $0xb8;
	[tilespmem:$0x1D000] =	vst v63  }
0x26: {  	p0 =	sne.s32 s19, $0x9E00;
	_ =	swait.ge [sflag:s16], $0x4000  }
.Ltmp0:
0x27: {  	[sflag:s16] =	ssyncset.done $0x0;
	(pc) =	sbr.rel @p0 .LBB2_2-.Ltmp0, $4  }
0x28: {  	s19 =	sadd.s32 $0x2800, s20;
	[sflag:s16] =	ssyncadd.s32 $0xFFFFC000  }
0x29: {  	[spmem:s2] =	stream.indirect.scatter.add.f32 [tilespmem:s15], [sflag:$0x2], $0x80, s19, s14, $0xb8;
	[tilespmem:$0x1D000] =	vst v63  }
0x2a: {  	_ =	swait.ge [sflag:s10], $0x4000  }
0x2b: {  	s19 =	smov.u32 s21;
	[sflag:s10] =	ssyncset.done $0x0  }
0x2c: {  	s18 =	sshra.s32 s18, $0x2;
	[sflag:s10] =	ssyncadd.s32 $0xFFFFC000  }
0x2d: {  	[tilespmem:s15], [sflag:$0x1] =	stream.indirect.gather [hbm4b:s4+s14], $0x80, s18, s14, $0xb8;
	[tilespmem:$0x1D000] =	vst v63  }
0x2e: {  	_ =	swait.ge [sflag:s16], $0x4000  }
0x2f: {  	[sflag:s16] =	ssyncset.done $0x0  }
0x30: {  	s18 =	sadd.s32 $0x2800, s18;
	[sflag:s16] =	ssyncadd.s32 $0xFFFFC000  }
0x31: {  	[spmem:s2] =	stream.indirect.scatter.add.f32 [tilespmem:s15], [sflag:$0x2], $0x80, s18, s14, $0xb8;
	[tilespmem:$0x1D000] =	vst v63  }
0x32: {  	_ =	swait.ge [sflag:s10], $0x4000  }
0x33: {  	s17 =	sadd.s32 $0x1, s17;
	[sflag:s10] =	ssyncset.done $0x0  }
0x34: {  	p0 =	sne.s32 s17, s9;
	[sflag:s10] =	ssyncadd.s32 $0xFFFFC000  }
.Ltmp1:
0x35: {  	[bflag:$0x0] =	sbarrier.arrive $0xFFFF;
	(pc) =	sbr.rel @p0 .LBB2_1-.Ltmp1, $4  }
0x36: {  	[hbm:s8], [sflag:s12] =	dma.local [spmem:s13], $0x2800  }
0x37: {  	_ =	swait.ge [sflag:s10], $0x2800  }
0x38: {  	[sflag:s10] =	ssyncset.done $0x0  }
0x39: {  	[sflag:s10] =	ssyncadd.s32 $0xFFFFD800  }
0x3a: {  	_ =	sfence.sel $0x180000  }
0x3b: {  	[bflag:$0x0] =	sbarrier.arrive $0xFFFF  }
0x3c: {  	p0 =	sne.s32 s0, $0x0;
	_ =	strace $0x9000004D  }
0x3d: {  	s0 =	sadd.s32 @!p0 $0x100000, s1;
	[bflag:$0x2] =	sbarrier.arrive $0xFFFF  }
0x3e: {  	[sflag:s0] =	ssyncadd.tile.s32 @!p0 $0x1;
	_ =	shalt  }
.Lfunc_end2:
_tile_overlayer_lowered:
.L_overlay_start_2:
0x3f: {  	(tag) =	ssettag $0x2  }
0x40: {  	s0 =	rddreg [dreg:$0x0];
	s2 =	stileid.u32  }
0x41: {  	s1 =	rddreg [dreg:$0x1];
	p0 =	sne.s32 s2, $0x0  }
0x42: {  	s3 =	rddreg [dreg:$0x2];
	[bflag:$0x3] =	sbarrier.arrive $0xFFFF;
	s2 =	simm.s32 @!p0 $0x1C02  }
0x43: {  	[timem:s3], [sflag:s2] =	dma.local @!p0 [hbm:s0], s1  }
0x44: {  	s0 =	simm.s32 @!p0 $0x2  }
0x45: {  	_ =	swait.ge @!p0 [sflag:s0], s1  }
0x46: {  	s1 =	ssub.s32 @!p0 $0x0, s1;
	[sflag:s0] =	ssyncset.done @!p0 $0x0  }
0x47: {  	[sflag:s0] =	ssyncadd.s32 @!p0 s1  }
0x48: {  	[bflag:$0x3] =	sbarrier.arrive $0xFFFF  }
0x49: {  	_ =	shalt  }

// kernel: kernel.8.cloned.1.call-start
scs
__scs_entry_jumppad:
0x0: {  	(pc) =	sbr.rel $0x88, $3  }
0x1: {  	(tag) =	ssettag $0x0;
	lr =	simm.s32 $0x1  }
0x2: {  	[smem:$0x3F9B] =	sst lr;
	_ =	strace $0xD0000000  }
0x3: {  	_ = 	snop  }
0x4: {  	_ = 	snop  }
0x5: {  	_ = 	snop  }
0x6: {  	_ = 	snop  }
0x7: {  	_ = 	snop  }
__scs_overlays_trampoline_lowered:
0x8: {  	[smem:$0x3FAA] =	sst s0  }
0x9: {  	[smem:$0x3FAB] =	sst s1  }
0xa: {  	[smem:$0x3FAC] =	sst s2  }
0xb: {  	[smem:$0x3FAD] =	sst s3  }
0xc: {  	[smem:$0x3FAE] =	sst s4  }
0xd: {  	[smem:$0x3FAF] =	sst s5  }
0xe: {  	[smem:$0x3FB0] =	sst s6  }
0xf: {  	[smem:$0x3FB1] =	sst s7  }
0x10: {  	[smem:$0x3FB2] =	sst s8  }
0x11: {  	[smem:$0x3FB3] =	sst s9;
	s0 =	simm.s32 @!p0 $0x0  }
0x12: {  	s1 =	sld [smem:$0x3F99];
	s0 =	simm.s32 @p0 $0x1  }
0x13: {  	[smem:$0x3FB4] =	sst s0;
	s0 =	simm.s32 @!p1 $0x0  }
0x14: {  	s2 =	sld [smem:$0x3F98];
	s0 =	simm.s32 @p1 $0x1  }
0x15: {  	[smem:$0x3FB5] =	sst s0;
	s0 =	simm.s32 @!p2 $0x0  }
0x16: {  	s3 =	sld [smem:$0x3FDB];
	s0 =	simm.s32 @p2 $0x1  }
0x17: {  	s4 =	simm.s32 $0x1BF5;
	[smem:$0x3FB7] =	sst s0  }
0x18: {  	s0 =	sld [smem:$0x3F9A];
	_ =	swait.ge [sflag:s4], $0x0  }
0x19: {  	s7 =	sld [smem:$0x3F9B]  }
0x1a: {  	s8 =	sadd.s32 $0xFFFFE003, lr  }
0x1b: {  	s9 =	sadd.s32 $0xFFFFFEF7, lr;
	s5 =	simm.s32 $0xFFFFFFFF;
	p2 =	slt.u32 s8, $0xFFFFF086  }
0x1c: {  	p1 =	slt.u32 s9, $0xF7A;
	s5 =	simm.s32 @!p2 $0x0  }
0x1d: {  	s5 =	simm.s32 @p1 $0x1;
	p0 =	seq.s32 s7, s2  }
0x1e: {  	s7 =	smul.u32 @!p0 $0xF7A, s2;
	p2 =	seq.s32 @!p0 s5, $0x0  }
0x1f: {  	s9 =	smul.u32 $0xF7A, s1;
	s8 =	simm.s32 @!p0 $0x1BF5;
	p2 =	por !p2, p0  }
0x20: {  	[sflag:s8] =	ssyncset.s32 @!p0 $0xFFFFF086;
	s6 =	sadd.s32 @!p0 s3, s7;
	s7 =	simm.s32 @!p0 $0x108  }
0x21: {  	s3 =	sadd.s32 s3, s9;
	s6 =	sadd.s32 @!p0 $0x88, s6;
	s7 =	simm.s32 @p2 $0x1082  }
0x22: {  	[simem:s7], [sflag:s8] =	dma.local @!p0 [hbm:s6], $0xF7A  }
0x23: {  	s9 =	sor.u32 $0xD0000000, s2;
	s6 =	simm.s32 $0x108;
	_ =	swait.ge @!p0 [sflag:s8], $0x0  }
0x24: {  	s3 =	sadd.s32 $0x88, s3;
	s6 =	simm.s32 @!p1 $0x1082;
	[sflag:s4] =	ssyncset.s32 $0xFFFFF086  }
0x25: {  	[simem:s6], [sflag:s4] =	dma.local [hbm:s3], $0xF7A  }
0x26: {  	[smem:$0x3F9B] =	sst s1;
	(tag) =	ssettag s2;
	_ =	strace s9  }
0x27: {  	s1 =	sld [smem:$0x3FAB]  }
0x28: {  	s2 =	sld [smem:$0x3FAC]  }
0x29: {  	s4 =	sld [smem:$0x3FAE]  }
0x2a: {  	p0 =	seq.s32 s5, $0x0;
	s5 =	sld [smem:$0x3FAF]  }
0x2b: {  	s6 =	sld [smem:$0x3FB0]  }
0x2c: {  	s7 =	sld [smem:$0x3FB1]  }
0x2d: {  	s3 =	simm.s32 $0x108;
	s8 =	sld [smem:$0x3FB2]  }
0x2e: {  	s3 =	simm.s32 @!p0 $0x1082;
	s9 =	sld [smem:$0x3FB3]  }
0x2f: {  	lr =	sadd.s32 s0, s3;
	s0 =	sld [smem:$0x3FAA]  }
0x30: {  	s3 =	sld [smem:$0x3FAD]  }
0x31: {  	[smem:$0x3FB6] =	sst s10  }
0x32: {  	s10 =	sld [smem:$0x3FB4];
	_ =	sdelay $0x3  }
0x33: {  	p0 =	seq.s32 s10, $0x1;
	s10 =	sld [smem:$0x3FB6];
	_ =	sdelay $0x3  }
0x34: {  	[smem:$0x3FB6] =	sst s10  }
0x35: {  	s10 =	sld [smem:$0x3FB5];
	_ =	sdelay $0x3  }
0x36: {  	p1 =	seq.s32 s10, $0x1;
	s10 =	sld [smem:$0x3FB6];
	_ =	sdelay $0x3  }
0x37: {  	[smem:$0x3FB6] =	sst s10  }
0x38: {  	s10 =	sld [smem:$0x3FB7]  }
0x39: {  	_ = 	snop;
	(pc) =	sbr.ind lr, $3  }
0x3a: {  	_ = 	snop  }
0x3b: {  	_ = 	snop  }
0x3c: {  	p2 =	seq.s32 s10, $0x1;
	s10 =	sld [smem:$0x3FB6]  }
0x3d: {  	_ =	shalt  }
0x3e: {  	_ =	shalt  }
0x3f: {  	_ =	shalt  }
0x40: {  	_ =	shalt  }
0x41: {  	_ =	shalt  }
0x42: {  	_ =	shalt  }
0x43: {  	_ =	shalt  }
0x44: {  	_ =	shalt  }
0x45: {  	_ =	shalt  }
0x46: {  	_ =	shalt  }
0x47: {  	_ =	shalt  }
0x48: {  	_ =	shalt  }
0x49: {  	_ =	shalt  }
0x4a: {  	_ =	shalt  }
0x4b: {  	_ =	shalt  }
0x4c: {  	_ =	shalt  }
0x4d: {  	_ =	shalt  }
0x4e: {  	_ =	shalt  }
0x4f: {  	_ =	shalt  }
0x50: {  	_ =	shalt  }
0x51: {  	_ =	shalt  }
0x52: {  	_ =	shalt  }
0x53: {  	_ =	shalt  }
0x54: {  	_ =	shalt  }
0x55: {  	_ =	shalt  }
0x56: {  	_ =	shalt  }
0x57: {  	_ =	shalt  }
0x58: {  	_ =	shalt  }
0x59: {  	_ =	shalt  }
0x5a: {  	_ =	shalt  }
0x5b: {  	_ =	shalt  }
0x5c: {  	_ =	shalt  }
0x5d: {  	_ =	shalt  }
0x5e: {  	_ =	shalt  }
0x5f: {  	_ =	shalt  }
0x60: {  	_ =	shalt  }
0x61: {  	_ =	shalt  }
0x62: {  	_ =	shalt  }
0x63: {  	_ =	shalt  }
0x64: {  	_ =	shalt  }
0x65: {  	_ =	shalt  }
0x66: {  	_ =	shalt  }
0x67: {  	_ =	shalt  }
0x68: {  	_ =	shalt  }
0x69: {  	_ =	shalt  }
0x6a: {  	_ =	shalt  }
0x6b: {  	_ =	shalt  }
0x6c: {  	_ =	shalt  }
0x6d: {  	_ =	shalt  }
0x6e: {  	_ =	shalt  }
0x6f: {  	_ =	shalt  }
0x70: {  	_ =	shalt  }
0x71: {  	_ =	shalt  }
0x72: {  	_ =	shalt  }
0x73: {  	_ =	shalt  }
0x74: {  	_ =	shalt  }
0x75: {  	_ =	shalt  }
0x76: {  	_ =	shalt  }
0x77: {  	_ =	shalt  }
0x78: {  	_ =	shalt  }
0x79: {  	_ =	shalt  }
0x7a: {  	_ =	shalt  }
0x7b: {  	_ =	shalt  }
0x7c: {  	_ =	shalt  }
0x7d: {  	_ =	shalt  }
0x7e: {  	_ =	shalt  }
0x7f: {  	_ =	shalt  }
0x80: {  	_ =	shalt  }
0x81: {  	_ =	shalt  }
0x82: {  	_ =	shalt  }
0x83: {  	_ =	shalt  }
0x84: {  	_ =	shalt  }
0x85: {  	_ =	shalt  }
0x86: {  	_ =	shalt  }
0x87: {  	_ =	shalt  }
.Lfunc_end0:
.L_simem_size_0:
called_computation_lowered:
.L_overlay_start_0:
0x88: {  	s2 =	sld [smem:$0x3FD9]  }
0x89: {  	s3 =	sld [smem:$0x3FFE];
	_ =	sdelay $0x1  }
0x8a: {  	s1 =	srdreg.scid  }
0x8b: {  	s0 =	sand.u32 $0x1, s1  }
0x8c: {  	s17 =	sshll.u32 s0, $0xA;
	s2 =	sadd.s32 s3, s2  }
0x8d: {  	s2 =	sadd.s32 s2, s17  }
0x8e: {  	[smem:$0x3FC2] =	sst s2  }
0x8f: {  	_ = 	snop  }
0x90: {  	s2 =	sld [smem:$0x3FD0];
	(tm) =	ssettm $0x1  }
0x91: {  	s18 =	sld [smem:$0x3FFB];
	_ =	sdelay $0x3  }
0x92: {  	_ =	strace s18  }
0x93: {  	s3 =	sld [smem:$0x3FFC];
	_ =	sdelay $0x3  }
0x94: {  	_ =	strace s3  }
0x95: {  	s3 =	sld [smem:$0x3FFD];
	_ =	sdelay $0x3  }
0x96: {  	_ =	strace s3  }
0x97: {  	_ =	strace $0x8FFFFFFF  }
0x98: {  	s19 =	sld [smem:$0x3FDB];
	_ =	sdelay $0x1  }
0x99: {  	s4 =	simm.s32 $_scs_section_size  }
0x9a: {  	s5 =	simm.s32 $_size__tile_overlayer_lowered;
	s6 =	simm.s32 $_tile_overlayer_lowered  }
0x9b: {  	s22 =	simm.s32 $0x1BFF;
	s21 =	sshll.u32 s6, $0x1;
	s3 =	sadd.s32 s4, s19  }
0x9c: {  	s7 =	simm.s32 $0x0;
	s20 =	sshll.u32 s5, $0x1;
	s5 =	sadd.s32 s21, s3  }
0x9d: {  	[timem:s7], [sflag:s22] =	dma.local [hbm:s5], s20  }
0x9e: {  	_ =	swait.ge [sflag:s22], s20  }
0x9f: {  	s4 =	ssub.s32 $0x0, s20;
	[sflag:s22] =	ssyncset.done $0x0  }
0xa0: {  	[sflag:s22] =	ssyncadd.s32 s4;
	_ =	sdelay $0x1  }
0xa1: {  	s23 =	simm.s32 $0x1B8B  }
0xa2: {  	_ =	swait.ge [sflag:s23], $0x1  }
0xa3: {  	[sflag:s23] =	ssyncset.done $0x0  }
0xa4: {  	s25 =	simm.s32 $0x1B8E;
	s24 =	sld [smem:$0x3FFE];
	[sflag:s23] =	ssyncadd.s32 $0xFFFFFFFF  }
0xa5: {  	s26 =	simm.s32 $execute0_lowered;
	[smem:$0x3FD2] =	sst s25  }
0xa6: {  	s5 =	sshll.u32 s26, $0x1;
	_ =	strace $0x80000046;
	[dreg:$0x1] =	wrdreg $0xFFFFFFFF  }
0xa7: {  	s28 =	simm.s32 $_size_execute0_lowered;
	s3 =	sadd.s32 s3, s5;
	[dreg:$0x0] =	wrdreg $0x0  }
0xa8: {  	s5 =	sshll.u32 s28, $0x1;
	[dreg:$0x2] =	wrdreg s3  }
0xa9: {  	[dreg:$0x3] =	wrdreg s5  }
0xaa: {  	[dreg:$0x4] =	wrdreg $0xC0  }
0xab: {  	_ =	task [dreg:s7], $0x5FFFF  }
0xac: {  	[dreg:$0x1] =	wrdreg $0xFFFFFFFF  }
0xad: {  	[dreg:$0x0] =	wrdreg $0x60  }
0xae: {  	[dreg:$0x2] =	wrdreg s2  }
0xaf: {  	[dreg:$0x3] =	wrdreg s24  }
0xb0: {  	[dreg:$0x4] =	wrdreg $0x2B000  }
0xb1: {  	[dreg:$0x5] =	wrdreg $0x9  }
0xb2: {  	_ =	task.clear_ibuf [dreg:s7], $0x6FFFF;
	_ =	strace $0x90000046  }
0xb3: {  	s29 =	simm.s32 $0x9;
	_ =	strace $0x80000048  }
0xb4: {  	_ =	swait.ge [sflag:s29], $0x1  }
0xb5: {  	[sflag:s29] =	ssyncadd.s32 $0xFFFFFFFF  }
0xb6: {  	_ =	strace $0x90000048  }
0xb7: {  	_ =	sfence  }
0xb8: {  	s30 =	sld [smem:$0x0];
	_ =	sdelay $0x2  }
0xb9: {  	s31 =	sshll.u32 s1, $0xD;
	s1 =	sshrl.u32 s1, $0x2  }
0xba: {  	s3 =	sand.u32 $0x4000, s31;
	s1 =	sadd.s32 s1, s30  }
0xbb: {  	s0 =	sor.u32 s3, s0;
	s1 =	sshll.u32 s1, $0x11  }
0xbc: {  	s0 =	sor.u32 s1, s0  }
0xbd: {  	s0 =	sadd.s32 $0x8F2B, s0  }
0xbe: {  	[sflag:s0] =	ssyncadd.remote.s32 $0x1  }
0xbf: {  	_ =	sfence.sel $0xFFFF  }
0xc0: {  	[dreg:$0x0] =	wrdreg $0xFFFFFFFF;
	(pc) =	sbr.abs _section_cstart, $3  }
0xc1: {  	[dreg:$0x1] =	wrdreg $0xFFFFFFFF  }
0xc2: {  	_ =	task.clear_ibuf [dreg:s7], $0x2FFFF;
	_ =	strace $0x9FFFFFFF  }
0xc3: {  	(tm) =	ssettm $0x7FFFFFFF  }
tec
execute0_lowered:
.L_overlay_start_1:
0x0: {  	(tag) =	ssettag $0x1  }
0x1: {  	s4 =	rddreg [dreg:$0x0]  }
0x2: {  	s5 =	rddreg [dreg:$0x1];
	s1 =	srdreg.scid  }
0x3: {  	s0 =	stileid.u32;
	s2 =	rddreg [dreg:$0x2];
	s3 =	simm.s32 $0x0  }
0x4: {  	s11 =	simm.s32 $0x2A80;
	s6 =	sand.u32 $0x1, s1;
	s1 =	rddreg [dreg:$0x3]  }
0x5: {  	s14 =	simm.s32 $0x0;
	s7 =	smul.u32 $0x280, s0;
	[smem:$0x7FF] =	sst s3  }
0x6: {  	s12 =	sshll.u32 s0, $0x6;
	s8 =	smul.u32 $0x2800, s6;
	s9 =	sshll.u32 s6, $0x4  }
0x7: {  	s6 =	ssub.s32 $0x2, s6;
	_ =	strace $0x80000047;
	s9 =	sor.u32 s0, s9  }
0x8: {  	s10 =	sshrl.u32 s6, $0x1;
	s8 =	sadd.s32 s7, s8;
	s9 =	smul.u32 $0x500, s9  }
0x9: {  	s12 =	sor.u32 $0x1C01, s12;
	s10 =	ssub.s32 s6, s10;
	s8 =	sshrl.u32 s8, $0x3  }
0xa: {  	s8 =	sadd.s32 s8, s5;
	s4 =	sadd.s32 s4, s9;
	s5 =	sadd.s32 s7, s2  }
0xb: {  	s7 =	smax.u32 s10, $0x1;
	s9 =	simm.s32 $0x2800;
	s10 =	simm.s32 $0x80  }
0xc: {  	v0 =	vimm.f32 $0.0e+00;
	v1 =	vimm.f32 $1.000000000e+00;
	s6 =	sadd.s32 $0xCC00, s8;
	s8 =	simm.s32 $0x1;
	s13 =	sshrl.u32 s5, $0x3  }
.LBB2_1:
0xd: {  	[tilespmem:s3], [sflag:$0x1] =	stream.linear.gather [hbm4b:s4+s3], $0x2800, $0x38;
	[tilespmem:$0x2D80] =	vst v63  }
0xe: {  	_ =	swait.ge [sflag:s8], $0x2800  }
0xf: {  	[sflag:s8] =	ssyncset.done $0x0  }
0x10: {  	[sflag:s8] =	ssyncadd.s32 $0xFFFFD800  }
0x11: {  	[tilespmem:$0x2800] =	vst v0  }
0x12: {  	[tilespmem:$0x2810] =	vst v0  }
0x13: {  	[tilespmem:$0x2820] =	vst v0  }
0x14: {  	[tilespmem:$0x2830] =	vst v0  }
0x15: {  	[tilespmem:$0x2840] =	vst v0  }
0x16: {  	[tilespmem:$0x2850] =	vst v0  }
0x17: {  	[tilespmem:$0x2860] =	vst v0  }
0x18: {  	[tilespmem:$0x2870] =	vst v0  }
0x19: {  	[tilespmem:$0x2880] =	vst v0  }
0x1a: {  	[tilespmem:$0x2890] =	vst v0  }
0x1b: {  	[tilespmem:$0x28A0] =	vst v0  }
0x1c: {  	[tilespmem:$0x28B0] =	vst v0  }
0x1d: {  	[tilespmem:$0x28C0] =	vst v0  }
0x1e: {  	[tilespmem:$0x28D0] =	vst v0  }
0x1f: {  	[tilespmem:$0x28E0] =	vst v0  }
0x20: {  	[tilespmem:$0x28F0] =	vst v0  }
0x21: {  	[tilespmem:$0x2900] =	vst v0  }
0x22: {  	[tilespmem:$0x2910] =	vst v0  }
0x23: {  	[tilespmem:$0x2920] =	vst v0  }
0x24: {  	[tilespmem:$0x2930] =	vst v0  }
0x25: {  	[tilespmem:$0x2940] =	vst v0  }
0x26: {  	[tilespmem:$0x2950] =	vst v0  }
0x27: {  	[tilespmem:$0x2960] =	vst v0  }
0x28: {  	[tilespmem:$0x2970] =	vst v0  }
0x29: {  	[tilespmem:$0x2980] =	vst v0  }
0x2a: {  	[tilespmem:$0x2990] =	vst v0  }
0x2b: {  	[tilespmem:$0x29A0] =	vst v0  }
0x2c: {  	[tilespmem:$0x29B0] =	vst v0  }
0x2d: {  	[tilespmem:$0x29C0] =	vst v0  }
0x2e: {  	[tilespmem:$0x29D0] =	vst v0  }
0x2f: {  	[tilespmem:$0x29E0] =	vst v0  }
0x30: {  	[tilespmem:$0x29F0] =	vst v0  }
0x31: {  	[tilespmem:$0x2A00] =	vst v0  }
0x32: {  	[tilespmem:$0x2A10] =	vst v0  }
0x33: {  	[tilespmem:$0x2A20] =	vst v0  }
0x34: {  	[tilespmem:$0x2A30] =	vst v0  }
0x35: {  	[tilespmem:$0x2A40] =	vst v0  }
0x36: {  	[tilespmem:$0x2A50] =	vst v0  }
0x37: {  	[tilespmem:$0x2A60] =	vst v0  }
0x38: {  	[tilespmem:$0x2A70] =	vst v0  }
0x39: {  	[tilespmem:$0x2A80] =	vst v1  }
0x3a: {  	[tilespmem:$0x2A90] =	vst v1  }
0x3b: {  	[tilespmem:$0x2AA0] =	vst v1  }
0x3c: {  	[tilespmem:$0x2AB0] =	vst v1  }
0x3d: {  	[tilespmem:$0x2AC0] =	vst v1  }
0x3e: {  	[tilespmem:$0x2AD0] =	vst v1  }
0x3f: {  	[tilespmem:$0x2AE0] =	vst v1  }
0x40: {  	[tilespmem:$0x2AF0] =	vst v1  }
0x41: {  	[spmem:s5] =	stream.linear.scatter [tilespmem:s9], [sflag:$0x1], $0x280, $0x38;
	[tilespmem:$0x2D80] =	vst v63  }
0x42: {  	_ =	swait.ge [sflag:s8], $0x280  }
0x43: {  	[sflag:s8] =	ssyncset.done $0x0  }
0x44: {  	[sflag:s8] =	ssyncadd.s32 $0xFFFFFD80  }
0x45: {  	s15 =	simm.s32 $0x0;
	[bflag:$0x0] =	sbarrier.arrive $0xFFFF  }
0x46: {  	[spmem:s2] =	stream.indirect.scatter.add.f32 [tilespmem:s11], [sflag:$0x1], $0x1, s15, s10, $0xb8;
	[tilespmem:$0x2D80] =	vst v63  }
0x47: {  	_ =	swait.ge [sflag:s8], $0x80  }
0x48: {  	s15 =	simm.s32 $0x200;
	[sflag:s8] =	ssyncset.done $0x0  }
.LBB2_2:
0x49: {  	s16 =	sshra.s32 s15, $0x2;
	[sflag:s8] =	ssyncadd.s32 $0xFFFFFF80;
	p0 =	sne.s32 s15, $0x9E00  }
0x4a: {  	[spmem:s2] =	stream.indirect.scatter.add.f32 [tilespmem:s11], [sflag:$0x1], $0x1, s16, s10, $0xb8;
	[tilespmem:$0x2D80] =	vst v63  }
.Ltmp0:
0x4b: {  	_ = 	snop;
	(pc) =	sbr.rel @p0 .LBB2_2-.Ltmp0, $4  }
0x4c: {  	_ = 	snop  }
0x4d: {  	s15 =	sadd.s32 $0x200, s15  }
0x4e: {  	_ =	swait.ge [sflag:s8], $0x80  }
0x4f: {  	[sflag:s8] =	ssyncset.done $0x0  }
0x50: {  	s14 =	sadd.s32 $0x1, s14  }
0x51: {  	[sflag:s8] =	ssyncadd.s32 $0xFFFFFF80;
	p0 =	sne.s32 s14, s7  }
.Ltmp1:
0x52: {  	[bflag:$0x0] =	sbarrier.arrive $0xFFFF;
	(pc) =	sbr.rel @p0 .LBB2_1-.Ltmp1, $4  }
0x53: {  	[hbm:s6], [sflag:s12] =	dma.local [spmem:s13], $0x50  }
0x54: {  	_ =	swait.ge [sflag:s8], $0x50  }
0x55: {  	[sflag:s8] =	ssyncset.done $0x0  }
0x56: {  	[sflag:s8] =	ssyncadd.s32 $0xFFFFFFB0  }
0x57: {  	_ =	sfence.sel $0x180000  }
0x58: {  	[bflag:$0x0] =	sbarrier.arrive $0xFFFF  }
0x59: {  	p0 =	sne.s32 s0, $0x0;
	_ =	strace $0x90000047  }
0x5a: {  	s0 =	sadd.s32 @!p0 $0x100000, s1;
	[bflag:$0x2] =	sbarrier.arrive $0xFFFF  }
0x5b: {  	[sflag:s0] =	ssyncadd.tile.s32 @!p0 $0x1;
	_ =	shalt  }
.Lfunc_end2:
_tile_overlayer_lowered:
.L_overlay_start_2:
0x5c: {  	(tag) =	ssettag $0x2  }
0x5d: {  	s0 =	rddreg [dreg:$0x0];
	s2 =	stileid.u32  }
0x5e: {  	s1 =	rddreg [dreg:$0x1];
	p0 =	sne.s32 s2, $0x0  }
0x5f: {  	s3 =	rddreg [dreg:$0x2];
	[bflag:$0x3] =	sbarrier.arrive $0xFFFF;
	s2 =	simm.s32 @!p0 $0x1C01  }
0x60: {  	[timem:s3], [sflag:s2] =	dma.local @!p0 [hbm:s0], s1  }
0x61: {  	s0 =	simm.s32 @!p0 $0x1  }
0x62: {  	_ =	swait.ge @!p0 [sflag:s0], s1  }
0x63: {  	s1 =	ssub.s32 @!p0 $0x0, s1;
	[sflag:s0] =	ssyncset.done @!p0 $0x0  }
0x64: {  	[sflag:s0] =	ssyncadd.s32 @!p0 s1  }
0x65: {  	[bflag:$0x3] =	sbarrier.arrive $0xFFFF  }
0x66: {  	_ =	shalt  }

</sc_bundles>
